<compile_context>
chip_gen: v7x
topology: tpu7x:2x2x1
jax: 0.10.2.dev20260603
libtpu: 0.0.44.dev20260713+nightly
codegen_flags: <defaults>
</compile_context>

<pallas_src>
import jax
import jax.numpy as jnp
from jax import lax
from jax.experimental import pallas as pl
from jax.experimental.pallas import tpu as pltpu
from jax.experimental.pallas import tpu_sc as plsc

_HBLK = 8

_NW = 32
_NBUF = 4
_CHUNK_ROWS = 248
_LOOKAHEAD = 3


def _copy_body(x_ref, o_ref):
    o_ref[...] = x_ref[...]


def _tc_copy(x):
    B, H, L, D = x.shape
    spec = pl.BlockSpec((1, _HBLK, L, D), lambda b, h: (b, h, 0, 0))
    return pl.pallas_call(
        _copy_body,
        grid=(B, H // _HBLK),
        in_specs=[spec],
        out_specs=spec,
        out_shape=jax.ShapeDtypeStruct(x.shape, x.dtype),
        compiler_params=pltpu.CompilerParams(
            dimension_semantics=("arbitrary", "arbitrary"),
        ),
    )(x)


def _sc_copy(x):
    shape = x.shape
    rows = x.size // 128
    x2 = x.reshape(rows, 128)
    rows_per_w = rows // _NW
    sizes = [_CHUNK_ROWS] * (rows_per_w // _CHUNK_ROWS)
    if rows_per_w % _CHUNK_ROWS:
        sizes.append(rows_per_w % _CHUNK_ROWS)
    offs = [0]
    for s in sizes[:-1]:
        offs.append(offs[-1] + s)
    n = len(sizes)

    mesh = plsc.VectorSubcoreMesh(core_axis_name="c", subcore_axis_name="s")

    def run(x2):
        @pl.kernel(
            out_type=jax.ShapeDtypeStruct((rows, 128), jnp.float32),
            mesh=mesh,
            scratch_types=(
                [pltpu.VMEM((_CHUNK_ROWS, 128), jnp.float32)] * _NBUF
                + [pltpu.SemaphoreType.DMA] * (2 * _NBUF)
            ),
        )
        def sc_copy_kernel(in_hbm, out_hbm, *scratch):
            bufs = scratch[:_NBUF]
            gsems = scratch[_NBUF:2 * _NBUF]
            ssems = scratch[2 * _NBUF:]
            wid = lax.axis_index("s") * 2 + lax.axis_index("c")
            base = wid * rows_per_w

            def src(c):
                return in_hbm.at[pl.ds(base + offs[c], sizes[c])]

            def dst(c):
                return out_hbm.at[pl.ds(base + offs[c], sizes[c])]

            def buf(c):
                b = bufs[c % _NBUF]
                if sizes[c] == _CHUNK_ROWS:
                    return b
                return b.at[pl.ds(0, sizes[c])]

            ins = [None] * n
            outs = [None] * n
            out_waited = [False] * n

            for c in range(min(_LOOKAHEAD, n)):
                ins[c] = pltpu.async_copy(src(c), buf(c), gsems[c % _NBUF])
            for c in range(n):
                ins[c].wait()
                outs[c] = pltpu.async_copy(buf(c), dst(c), ssems[c % _NBUF])
                nxt = c + _LOOKAHEAD
                if nxt < n:
                    if nxt >= _NBUF:
                        outs[nxt - _NBUF].wait()
                        out_waited[nxt - _NBUF] = True
                    ins[nxt] = pltpu.async_copy(
                        src(nxt), buf(nxt), gsems[nxt % _NBUF]
                    )
            for c in range(n):
                if not out_waited[c]:
                    outs[c].wait()

        return sc_copy_kernel(x2)

    return run(x2).reshape(shape)


def kernel(new_k, new_v):
    out_v = _sc_copy(new_v)
    out_k = _tc_copy(new_k)
    return (out_k, out_v)

# --- scband reference (transcript-rebuilt; emitter-appended) ---
"""Pipeline reference for scband-liveness-kvcache-7945689497942 (READ-ONLY COPY).

The authoritative reference and input builder live on the scoring server;
editing this copy changes nothing except your own understanding.
"""

import jax, jax.numpy as jnp
import numpy as np


def setup_inputs(seed: int = 0) -> dict:
    key = jax.random.key(seed)
    k1, k2 = jax.random.split(key)
    B, H, new_len, HD = 4, 32, 2048, 128
    new_k = jax.random.normal(k1, (B, H, new_len, HD), dtype=jnp.float32)
    new_v = jax.random.normal(k2, (B, H, new_len, HD), dtype=jnp.float32)
    return {"new_k": new_k, "new_v": new_v}


def reference(new_k, new_v):
    # LivenessKVCache.update with an empty cache and no token_metadata:
    # - new_live_positions = range(next_position, next_position+new_len)
    # - no metadata => no dead positions, no eviction
    # - cached_k is None => cached_k = new_k; cached_v = new_v
    # - returns the full (K, V) which is just the newly cached tensors.
    # The stateful bookkeeping (position maps, stats) has no tensor effect.
    cached_k = new_k
    cached_v = new_v
    return (cached_k, cached_v)

if __name__ == "__main__":
    import jax
    _d = setup_inputs()
    print(jax.jit(kernel)(*tuple(_d.values())))

</pallas_src>

<mosaic_0001>
#map = affine_map<(d0, d1) -> (0, 0)>
module attributes {stable_mosaic.version = 14 : i64} {
  func.func @sc_copy_kernel(%arg0: i32, %arg1: i32, %arg2: memref<262144x128xf32, #tpu.memory_space<hbm>>, %arg3: memref<262144x128xf32, #tpu.memory_space<hbm>>, %arg4: memref<248x128xf32, #tpu.memory_space<vmem>>, %arg5: memref<248x128xf32, #tpu.memory_space<vmem>>, %arg6: memref<248x128xf32, #tpu.memory_space<vmem>>, %arg7: memref<248x128xf32, #tpu.memory_space<vmem>>, %arg8: memref<!tpu.dma_semaphore, #tpu.memory_space<semaphore_mem>>, %arg9: memref<!tpu.dma_semaphore, #tpu.memory_space<semaphore_mem>>, %arg10: memref<!tpu.dma_semaphore, #tpu.memory_space<semaphore_mem>>, %arg11: memref<!tpu.dma_semaphore, #tpu.memory_space<semaphore_mem>>, %arg12: memref<!tpu.dma_semaphore, #tpu.memory_space<semaphore_mem>>, %arg13: memref<!tpu.dma_semaphore, #tpu.memory_space<semaphore_mem>>, %arg14: memref<!tpu.dma_semaphore, #tpu.memory_space<semaphore_mem>>, %arg15: memref<!tpu.dma_semaphore, #tpu.memory_space<semaphore_mem>>) attributes {dimension_semantics = [#tpu.dimension_semantics<core_parallel>, #tpu.dimension_semantics<subcore_parallel>], iteration_bounds = array<i64: 2, 16>, scalar_prefetch = 0 : i64, scratch_operands = 12 : i64, tpu.core_type = #tpu.core_type<sc_vector_subcore>, window_params = [{transform_indices = #map}, {transform_indices = #map}]} {
    %mul3A = arith.constant 2 : i32
    %mul3A_0 = arith.muli %arg1, %mul3A : i32
    %add3A = arith.addi %mul3A_0, %arg0 : i32
    %mul3A_1 = arith.constant 8192 : i32
    %mul3A_2 = arith.muli %add3A, %mul3A_1 : i32
    %add3A_3 = arith.constant 0 : i32
    %add3A_4 = arith.addi %mul3A_2, %add3A_3 : i32
    %dma_start3A = arith.constant 0 : i32
    %dma_start3A_5 = tpu.memref_slice %arg2[%add3A_4, %dma_start3A] : memref<262144x128xf32, #tpu.memory_space<hbm>> -> memref<248x128xf32, #tpu.memory_space<hbm>>
    %dma_start3A_6 = arith.constant 0 : i32
    %dma_start3A_7 = tpu.memref_slice %arg2[%add3A_4, %dma_start3A_6] : memref<262144x128xf32, #tpu.memory_space<hbm>> -> memref<248x128xf32, #tpu.memory_space<hbm>>
    tpu.enqueue_dma source(%dma_start3A_7 : memref<248x128xf32, #tpu.memory_space<hbm>>) target(%arg4 : memref<248x128xf32, #tpu.memory_space<vmem>>) target_semaphore(%arg8 : memref<!tpu.dma_semaphore, #tpu.memory_space<semaphore_mem>>)
    %add3A_8 = arith.constant 248 : i32
    %add3A_9 = arith.addi %mul3A_2, %add3A_8 : i32
    %dma_start3A_10 = arith.constant 0 : i32
    %dma_start3A_11 = tpu.memref_slice %arg2[%add3A_9, %dma_start3A_10] : memref<262144x128xf32, #tpu.memory_space<hbm>> -> memref<248x128xf32, #tpu.memory_space<hbm>>
    %dma_start3A_12 = arith.constant 0 : i32
    %dma_start3A_13 = tpu.memref_slice %arg2[%add3A_9, %dma_start3A_12] : memref<262144x128xf32, #tpu.memory_space<hbm>> -> memref<248x128xf32, #tpu.memory_space<hbm>>
    tpu.enqueue_dma source(%dma_start3A_13 : memref<248x128xf32, #tpu.memory_space<hbm>>) target(%arg5 : memref<248x128xf32, #tpu.memory_space<vmem>>) target_semaphore(%arg9 : memref<!tpu.dma_semaphore, #tpu.memory_space<semaphore_mem>>)
    %add3A_14 = arith.constant 496 : i32
    %add3A_15 = arith.addi %mul3A_2, %add3A_14 : i32
    %dma_start3A_16 = arith.constant 0 : i32
    %dma_start3A_17 = tpu.memref_slice %arg2[%add3A_15, %dma_start3A_16] : memref<262144x128xf32, #tpu.memory_space<hbm>> -> memref<248x128xf32, #tpu.memory_space<hbm>>
    %dma_start3A_18 = arith.constant 0 : i32
    %dma_start3A_19 = tpu.memref_slice %arg2[%add3A_15, %dma_start3A_18] : memref<262144x128xf32, #tpu.memory_space<hbm>> -> memref<248x128xf32, #tpu.memory_space<hbm>>
    tpu.enqueue_dma source(%dma_start3A_19 : memref<248x128xf32, #tpu.memory_space<hbm>>) target(%arg6 : memref<248x128xf32, #tpu.memory_space<vmem>>) target_semaphore(%arg10 : memref<!tpu.dma_semaphore, #tpu.memory_space<semaphore_mem>>)
    %dma_wait3A = arith.constant 0 : i32
    %dma_wait3A_20 = tpu.memref_slice %arg2[%add3A_4, %dma_wait3A] : memref<262144x128xf32, #tpu.memory_space<hbm>> -> memref<248x128xf32, #tpu.memory_space<hbm>>
    %dma_wait3A_21 = arith.constant 0 : i32
    %dma_wait3A_22 = tpu.memref_slice %arg2[%add3A_4, %dma_wait3A_21] : memref<262144x128xf32, #tpu.memory_space<hbm>> -> memref<248x128xf32, #tpu.memory_space<hbm>>
    tpu.wait_dma2 semaphore(%arg8 : memref<!tpu.dma_semaphore, #tpu.memory_space<semaphore_mem>>) src(%dma_wait3A_22 : memref<248x128xf32, #tpu.memory_space<hbm>>) dst(%arg4 : memref<248x128xf32, #tpu.memory_space<vmem>>)
    %add3A_23 = arith.constant 0 : i32
    %add3A_24 = arith.addi %mul3A_2, %add3A_23 : i32
    %dma_start3A_25 = arith.constant 0 : i32
    %dma_start3A_26 = tpu.memref_slice %arg3[%add3A_24, %dma_start3A_25] : memref<262144x128xf32, #tpu.memory_space<hbm>> -> memref<248x128xf32, #tpu.memory_space<hbm>>
    %dma_start3A_27 = arith.constant 0 : i32
    %dma_start3A_28 = tpu.memref_slice %arg3[%add3A_24, %dma_start3A_27] : memref<262144x128xf32, #tpu.memory_space<hbm>> -> memref<248x128xf32, #tpu.memory_space<hbm>>
    tpu.enqueue_dma source(%arg4 : memref<248x128xf32, #tpu.memory_space<vmem>>) target(%dma_start3A_28 : memref<248x128xf32, #tpu.memory_space<hbm>>) target_semaphore(%arg12 : memref<!tpu.dma_semaphore, #tpu.memory_space<semaphore_mem>>)
    %add3A_29 = arith.constant 744 : i32
    %add3A_30 = arith.addi %mul3A_2, %add3A_29 : i32
    %dma_start3A_31 = arith.constant 0 : i32
    %dma_start3A_32 = tpu.memref_slice %arg2[%add3A_30, %dma_start3A_31] : memref<262144x128xf32, #tpu.memory_space<hbm>> -> memref<248x128xf32, #tpu.memory_space<hbm>>
    %dma_start3A_33 = arith.constant 0 : i32
    %dma_start3A_34 = tpu.memref_slice %arg2[%add3A_30, %dma_start3A_33] : memref<262144x128xf32, #tpu.memory_space<hbm>> -> memref<248x128xf32, #tpu.memory_space<hbm>>
    tpu.enqueue_dma source(%dma_start3A_34 : memref<248x128xf32, #tpu.memory_space<hbm>>) target(%arg7 : memref<248x128xf32, #tpu.memory_space<vmem>>) target_semaphore(%arg11 : memref<!tpu.dma_semaphore, #tpu.memory_space<semaphore_mem>>)
    %dma_wait3A_35 = arith.constant 0 : i32
    %dma_wait3A_36 = tpu.memref_slice %arg2[%add3A_9, %dma_wait3A_35] : memref<262144x128xf32, #tpu.memory_space<hbm>> -> memref<248x128xf32, #tpu.memory_space<hbm>>
    %dma_wait3A_37 = arith.constant 0 : i32
    %dma_wait3A_38 = tpu.memref_slice %arg2[%add3A_9, %dma_wait3A_37] : memref<262144x128xf32, #tpu.memory_space<hbm>> -> memref<248x128xf32, #tpu.memory_space<hbm>>
    tpu.wait_dma2 semaphore(%arg9 : memref<!tpu.dma_semaphore, #tpu.memory_space<semaphore_mem>>) src(%dma_wait3A_38 : memref<248x128xf32, #tpu.memory_space<hbm>>) dst(%arg5 : memref<248x128xf32, #tpu.memory_space<vmem>>)
    %add3A_39 = arith.constant 248 : i32
    %add3A_40 = arith.addi %mul3A_2, %add3A_39 : i32
    %dma_start3A_41 = arith.constant 0 : i32
    %dma_start3A_42 = tpu.memref_slice %arg3[%add3A_40, %dma_start3A_41] : memref<262144x128xf32, #tpu.memory_space<hbm>> -> memref<248x128xf32, #tpu.memory_space<hbm>>
    %dma_start3A_43 = arith.constant 0 : i32
    %dma_start3A_44 = tpu.memref_slice %arg3[%add3A_40, %dma_start3A_43] : memref<262144x128xf32, #tpu.memory_space<hbm>> -> memref<248x128xf32, #tpu.memory_space<hbm>>
    tpu.enqueue_dma source(%arg5 : memref<248x128xf32, #tpu.memory_space<vmem>>) target(%dma_start3A_44 : memref<248x128xf32, #tpu.memory_space<hbm>>) target_semaphore(%arg13 : memref<!tpu.dma_semaphore, #tpu.memory_space<semaphore_mem>>)
    %dma_wait3A_45 = arith.constant 0 : i32
    %dma_wait3A_46 = tpu.memref_slice %arg3[%add3A_24, %dma_wait3A_45] : memref<262144x128xf32, #tpu.memory_space<hbm>> -> memref<248x128xf32, #tpu.memory_space<hbm>>
    %dma_wait3A_47 = arith.constant 0 : i32
    %dma_wait3A_48 = tpu.memref_slice %arg3[%add3A_24, %dma_wait3A_47] : memref<262144x128xf32, #tpu.memory_space<hbm>> -> memref<248x128xf32, #tpu.memory_space<hbm>>
    tpu.wait_dma2 semaphore(%arg12 : memref<!tpu.dma_semaphore, #tpu.memory_space<semaphore_mem>>) src(%arg4 : memref<248x128xf32, #tpu.memory_space<vmem>>) dst(%dma_wait3A_48 : memref<248x128xf32, #tpu.memory_space<hbm>>)
    %add3A_49 = arith.constant 992 : i32
    %add3A_50 = arith.addi %mul3A_2, %add3A_49 : i32
    %dma_start3A_51 = arith.constant 0 : i32
    %dma_start3A_52 = tpu.memref_slice %arg2[%add3A_50, %dma_start3A_51] : memref<262144x128xf32, #tpu.memory_space<hbm>> -> memref<248x128xf32, #tpu.memory_space<hbm>>
    %dma_start3A_53 = arith.constant 0 : i32
    %dma_start3A_54 = tpu.memref_slice %arg2[%add3A_50, %dma_start3A_53] : memref<262144x128xf32, #tpu.memory_space<hbm>> -> memref<248x128xf32, #tpu.memory_space<hbm>>
    tpu.enqueue_dma source(%dma_start3A_54 : memref<248x128xf32, #tpu.memory_space<hbm>>) target(%arg4 : memref<248x128xf32, #tpu.memory_space<vmem>>) target_semaphore(%arg8 : memref<!tpu.dma_semaphore, #tpu.memory_space<semaphore_mem>>)
    %dma_wait3A_55 = arith.constant 0 : i32
    %dma_wait3A_56 = tpu.memref_slice %arg2[%add3A_15, %dma_wait3A_55] : memref<262144x128xf32, #tpu.memory_space<hbm>> -> memref<248x128xf32, #tpu.memory_space<hbm>>
    %dma_wait3A_57 = arith.constant 0 : i32
    %dma_wait3A_58 = tpu.memref_slice %arg2[%add3A_15, %dma_wait3A_57] : memref<262144x128xf32, #tpu.memory_space<hbm>> -> memref<248x128xf32, #tpu.memory_space<hbm>>
    tpu.wait_dma2 semaphore(%arg10 : memref<!tpu.dma_semaphore, #tpu.memory_space<semaphore_mem>>) src(%dma_wait3A_58 : memref<248x128xf32, #tpu.memory_space<hbm>>) dst(%arg6 : memref<248x128xf32, #tpu.memory_space<vmem>>)
    %add3A_59 = arith.constant 496 : i32
    %add3A_60 = arith.addi %mul3A_2, %add3A_59 : i32
    %dma_start3A_61 = arith.constant 0 : i32
    %dma_start3A_62 = tpu.memref_slice %arg3[%add3A_60, %dma_start3A_61] : memref<262144x128xf32, #tpu.memory_space<hbm>> -> memref<248x128xf32, #tpu.memory_space<hbm>>
    %dma_start3A_63 = arith.constant 0 : i32
    %dma_start3A_64 = tpu.memref_slice %arg3[%add3A_60, %dma_start3A_63] : memref<262144x128xf32, #tpu.memory_space<hbm>> -> memref<248x128xf32, #tpu.memory_space<hbm>>
    tpu.enqueue_dma source(%arg6 : memref<248x128xf32, #tpu.memory_space<vmem>>) target(%dma_start3A_64 : memref<248x128xf32, #tpu.memory_space<hbm>>) target_semaphore(%arg14 : memref<!tpu.dma_semaphore, #tpu.memory_space<semaphore_mem>>)
    %dma_wait3A_65 = arith.constant 0 : i32
    %dma_wait3A_66 = tpu.memref_slice %arg3[%add3A_40, %dma_wait3A_65] : memref<262144x128xf32, #tpu.memory_space<hbm>> -> memref<248x128xf32, #tpu.memory_space<hbm>>
    %dma_wait3A_67 = arith.constant 0 : i32
    %dma_wait3A_68 = tpu.memref_slice %arg3[%add3A_40, %dma_wait3A_67] : memref<262144x128xf32, #tpu.memory_space<hbm>> -> memref<248x128xf32, #tpu.memory_space<hbm>>
    tpu.wait_dma2 semaphore(%arg13 : memref<!tpu.dma_semaphore, #tpu.memory_space<semaphore_mem>>) src(%arg5 : memref<248x128xf32, #tpu.memory_space<vmem>>) dst(%dma_wait3A_68 : memref<248x128xf32, #tpu.memory_space<hbm>>)
    %add3A_69 = arith.constant 1240 : i32
    %add3A_70 = arith.addi %mul3A_2, %add3A_69 : i32
    %dma_start3A_71 = arith.constant 0 : i32
    %dma_start3A_72 = tpu.memref_slice %arg2[%add3A_70, %dma_start3A_71] : memref<262144x128xf32, #tpu.memory_space<hbm>> -> memref<248x128xf32, #tpu.memory_space<hbm>>
    %dma_start3A_73 = arith.constant 0 : i32
    %dma_start3A_74 = tpu.memref_slice %arg2[%add3A_70, %dma_start3A_73] : memref<262144x128xf32, #tpu.memory_space<hbm>> -> memref<248x128xf32, #tpu.memory_space<hbm>>
    tpu.enqueue_dma source(%dma_start3A_74 : memref<248x128xf32, #tpu.memory_space<hbm>>) target(%arg5 : memref<248x128xf32, #tpu.memory_space<vmem>>) target_semaphore(%arg9 : memref<!tpu.dma_semaphore, #tpu.memory_space<semaphore_mem>>)
    %dma_wait3A_75 = arith.constant 0 : i32
    %dma_wait3A_76 = tpu.memref_slice %arg2[%add3A_30, %dma_wait3A_75] : memref<262144x128xf32, #tpu.memory_space<hbm>> -> memref<248x128xf32, #tpu.memory_space<hbm>>
    %dma_wait3A_77 = arith.constant 0 : i32
    %dma_wait3A_78 = tpu.memref_slice %arg2[%add3A_30, %dma_wait3A_77] : memref<262144x128xf32, #tpu.memory_space<hbm>> -> memref<248x128xf32, #tpu.memory_space<hbm>>
    tpu.wait_dma2 semaphore(%arg11 : memref<!tpu.dma_semaphore, #tpu.memory_space<semaphore_mem>>) src(%dma_wait3A_78 : memref<248x128xf32, #tpu.memory_space<hbm>>) dst(%arg7 : memref<248x128xf32, #tpu.memory_space<vmem>>)
    %add3A_79 = arith.constant 744 : i32
    %add3A_80 = arith.addi %mul3A_2, %add3A_79 : i32
    %dma_start3A_81 = arith.constant 0 : i32
    %dma_start3A_82 = tpu.memref_slice %arg3[%add3A_80, %dma_start3A_81] : memref<262144x128xf32, #tpu.memory_space<hbm>> -> memref<248x128xf32, #tpu.memory_space<hbm>>
    %dma_start3A_83 = arith.constant 0 : i32
    %dma_start3A_84 = tpu.memref_slice %arg3[%add3A_80, %dma_start3A_83] : memref<262144x128xf32, #tpu.memory_space<hbm>> -> memref<248x128xf32, #tpu.memory_space<hbm>>
    tpu.enqueue_dma source(%arg7 : memref<248x128xf32, #tpu.memory_space<vmem>>) target(%dma_start3A_84 : memref<248x128xf32, #tpu.memory_space<hbm>>) target_semaphore(%arg15 : memref<!tpu.dma_semaphore, #tpu.memory_space<semaphore_mem>>)
    %dma_wait3A_85 = arith.constant 0 : i32
    %dma_wait3A_86 = tpu.memref_slice %arg3[%add3A_60, %dma_wait3A_85] : memref<262144x128xf32, #tpu.memory_space<hbm>> -> memref<248x128xf32, #tpu.memory_space<hbm>>
    %dma_wait3A_87 = arith.constant 0 : i32
    %dma_wait3A_88 = tpu.memref_slice %arg3[%add3A_60, %dma_wait3A_87] : memref<262144x128xf32, #tpu.memory_space<hbm>> -> memref<248x128xf32, #tpu.memory_space<hbm>>
    tpu.wait_dma2 semaphore(%arg14 : memref<!tpu.dma_semaphore, #tpu.memory_space<semaphore_mem>>) src(%arg6 : memref<248x128xf32, #tpu.memory_space<vmem>>) dst(%dma_wait3A_88 : memref<248x128xf32, #tpu.memory_space<hbm>>)
    %add3A_89 = arith.constant 1488 : i32
    %add3A_90 = arith.addi %mul3A_2, %add3A_89 : i32
    %dma_start3A_91 = arith.constant 0 : i32
    %dma_start3A_92 = tpu.memref_slice %arg2[%add3A_90, %dma_start3A_91] : memref<262144x128xf32, #tpu.memory_space<hbm>> -> memref<248x128xf32, #tpu.memory_space<hbm>>
    %dma_start3A_93 = arith.constant 0 : i32
    %dma_start3A_94 = tpu.memref_slice %arg2[%add3A_90, %dma_start3A_93] : memref<262144x128xf32, #tpu.memory_space<hbm>> -> memref<248x128xf32, #tpu.memory_space<hbm>>
    tpu.enqueue_dma source(%dma_start3A_94 : memref<248x128xf32, #tpu.memory_space<hbm>>) target(%arg6 : memref<248x128xf32, #tpu.memory_space<vmem>>) target_semaphore(%arg10 : memref<!tpu.dma_semaphore, #tpu.memory_space<semaphore_mem>>)
    %dma_wait3A_95 = arith.constant 0 : i32
    %dma_wait3A_96 = tpu.memref_slice %arg2[%add3A_50, %dma_wait3A_95] : memref<262144x128xf32, #tpu.memory_space<hbm>> -> memref<248x128xf32, #tpu.memory_space<hbm>>
    %dma_wait3A_97 = arith.constant 0 : i32
    %dma_wait3A_98 = tpu.memref_slice %arg2[%add3A_50, %dma_wait3A_97] : memref<262144x128xf32, #tpu.memory_space<hbm>> -> memref<248x128xf32, #tpu.memory_space<hbm>>
    tpu.wait_dma2 semaphore(%arg8 : memref<!tpu.dma_semaphore, #tpu.memory_space<semaphore_mem>>) src(%dma_wait3A_98 : memref<248x128xf32, #tpu.memory_space<hbm>>) dst(%arg4 : memref<248x128xf32, #tpu.memory_space<vmem>>)
    %add3A_99 = arith.constant 992 : i32
    %add3A_100 = arith.addi %mul3A_2, %add3A_99 : i32
    %dma_start3A_101 = arith.constant 0 : i32
    %dma_start3A_102 = tpu.memref_slice %arg3[%add3A_100, %dma_start3A_101] : memref<262144x128xf32, #tpu.memory_space<hbm>> -> memref<248x128xf32, #tpu.memory_space<hbm>>
    %dma_start3A_103 = arith.constant 0 : i32
    %dma_start3A_104 = tpu.memref_slice %arg3[%add3A_100, %dma_start3A_103] : memref<262144x128xf32, #tpu.memory_space<hbm>> -> memref<248x128xf32, #tpu.memory_space<hbm>>
    tpu.enqueue_dma source(%arg4 : memref<248x128xf32, #tpu.memory_space<vmem>>) target(%dma_start3A_104 : memref<248x128xf32, #tpu.memory_space<hbm>>) target_semaphore(%arg12 : memref<!tpu.dma_semaphore, #tpu.memory_space<semaphore_mem>>)
    %dma_wait3A_105 = arith.constant 0 : i32
    %dma_wait3A_106 = tpu.memref_slice %arg3[%add3A_80, %dma_wait3A_105] : memref<262144x128xf32, #tpu.memory_space<hbm>> -> memref<248x128xf32, #tpu.memory_space<hbm>>
    %dma_wait3A_107 = arith.constant 0 : i32
    %dma_wait3A_108 = tpu.memref_slice %arg3[%add3A_80, %dma_wait3A_107] : memref<262144x128xf32, #tpu.memory_space<hbm>> -> memref<248x128xf32, #tpu.memory_space<hbm>>
    tpu.wait_dma2 semaphore(%arg15 : memref<!tpu.dma_semaphore, #tpu.memory_space<semaphore_mem>>) src(%arg7 : memref<248x128xf32, #tpu.memory_space<vmem>>) dst(%dma_wait3A_108 : memref<248x128xf32, #tpu.memory_space<hbm>>)
    %add3A_109 = arith.constant 1736 : i32
    %add3A_110 = arith.addi %mul3A_2, %add3A_109 : i32
    %dma_start3A_111 = arith.constant 0 : i32
    %dma_start3A_112 = tpu.memref_slice %arg2[%add3A_110, %dma_start3A_111] : memref<262144x128xf32, #tpu.memory_space<hbm>> -> memref<248x128xf32, #tpu.memory_space<hbm>>
    %dma_start3A_113 = arith.constant 0 : i32
    %dma_start3A_114 = tpu.memref_slice %arg2[%add3A_110, %dma_start3A_113] : memref<262144x128xf32, #tpu.memory_space<hbm>> -> memref<248x128xf32, #tpu.memory_space<hbm>>
    tpu.enqueue_dma source(%dma_start3A_114 : memref<248x128xf32, #tpu.memory_space<hbm>>) target(%arg7 : memref<248x128xf32, #tpu.memory_space<vmem>>) target_semaphore(%arg11 : memref<!tpu.dma_semaphore, #tpu.memory_space<semaphore_mem>>)
    %dma_wait3A_115 = arith.constant 0 : i32
    %dma_wait3A_116 = tpu.memref_slice %arg2[%add3A_70, %dma_wait3A_115] : memref<262144x128xf32, #tpu.memory_space<hbm>> -> memref<248x128xf32, #tpu.memory_space<hbm>>
    %dma_wait3A_117 = arith.constant 0 : i32
    %dma_wait3A_118 = tpu.memref_slice %arg2[%add3A_70, %dma_wait3A_117] : memref<262144x128xf32, #tpu.memory_space<hbm>> -> memref<248x128xf32, #tpu.memory_space<hbm>>
    tpu.wait_dma2 semaphore(%arg9 : memref<!tpu.dma_semaphore, #tpu.memory_space<semaphore_mem>>) src(%dma_wait3A_118 : memref<248x128xf32, #tpu.memory_space<hbm>>) dst(%arg5 : memref<248x128xf32, #tpu.memory_space<vmem>>)
    %add3A_119 = arith.constant 1240 : i32
    %add3A_120 = arith.addi %mul3A_2, %add3A_119 : i32
    %dma_start3A_121 = arith.constant 0 : i32
    %dma_start3A_122 = tpu.memref_slice %arg3[%add3A_120, %dma_start3A_121] : memref<262144x128xf32, #tpu.memory_space<hbm>> -> memref<248x128xf32, #tpu.memory_space<hbm>>
    %dma_start3A_123 = arith.constant 0 : i32
    %dma_start3A_124 = tpu.memref_slice %arg3[%add3A_120, %dma_start3A_123] : memref<262144x128xf32, #tpu.memory_space<hbm>> -> memref<248x128xf32, #tpu.memory_space<hbm>>
    tpu.enqueue_dma source(%arg5 : memref<248x128xf32, #tpu.memory_space<vmem>>) target(%dma_start3A_124 : memref<248x128xf32, #tpu.memory_space<hbm>>) target_semaphore(%arg13 : memref<!tpu.dma_semaphore, #tpu.memory_space<semaphore_mem>>)
    %dma_wait3A_125 = arith.constant 0 : i32
    %dma_wait3A_126 = tpu.memref_slice %arg3[%add3A_100, %dma_wait3A_125] : memref<262144x128xf32, #tpu.memory_space<hbm>> -> memref<248x128xf32, #tpu.memory_space<hbm>>
    %dma_wait3A_127 = arith.constant 0 : i32
    %dma_wait3A_128 = tpu.memref_slice %arg3[%add3A_100, %dma_wait3A_127] : memref<262144x128xf32, #tpu.memory_space<hbm>> -> memref<248x128xf32, #tpu.memory_space<hbm>>
    tpu.wait_dma2 semaphore(%arg12 : memref<!tpu.dma_semaphore, #tpu.memory_space<semaphore_mem>>) src(%arg4 : memref<248x128xf32, #tpu.memory_space<vmem>>) dst(%dma_wait3A_128 : memref<248x128xf32, #tpu.memory_space<hbm>>)
    %add3A_129 = arith.constant 1984 : i32
    %add3A_130 = arith.addi %mul3A_2, %add3A_129 : i32
    %dma_start3A_131 = arith.constant 0 : i32
    %dma_start3A_132 = tpu.memref_slice %arg2[%add3A_130, %dma_start3A_131] : memref<262144x128xf32, #tpu.memory_space<hbm>> -> memref<248x128xf32, #tpu.memory_space<hbm>>
    %dma_start3A_133 = arith.constant 0 : i32
    %dma_start3A_134 = tpu.memref_slice %arg2[%add3A_130, %dma_start3A_133] : memref<262144x128xf32, #tpu.memory_space<hbm>> -> memref<248x128xf32, #tpu.memory_space<hbm>>
    tpu.enqueue_dma source(%dma_start3A_134 : memref<248x128xf32, #tpu.memory_space<hbm>>) target(%arg4 : memref<248x128xf32, #tpu.memory_space<vmem>>) target_semaphore(%arg8 : memref<!tpu.dma_semaphore, #tpu.memory_space<semaphore_mem>>)
    %dma_wait3A_135 = arith.constant 0 : i32
    %dma_wait3A_136 = tpu.memref_slice %arg2[%add3A_90, %dma_wait3A_135] : memref<262144x128xf32, #tpu.memory_space<hbm>> -> memref<248x128xf32, #tpu.memory_space<hbm>>
    %dma_wait3A_137 = arith.constant 0 : i32
    %dma_wait3A_138 = tpu.memref_slice %arg2[%add3A_90, %dma_wait3A_137] : memref<262144x128xf32, #tpu.memory_space<hbm>> -> memref<248x128xf32, #tpu.memory_space<hbm>>
    tpu.wait_dma2 semaphore(%arg10 : memref<!tpu.dma_semaphore, #tpu.memory_space<semaphore_mem>>) src(%dma_wait3A_138 : memref<248x128xf32, #tpu.memory_space<hbm>>) dst(%arg6 : memref<248x128xf32, #tpu.memory_space<vmem>>)
    %add3A_139 = arith.constant 1488 : i32
    %add3A_140 = arith.addi %mul3A_2, %add3A_139 : i32
    %dma_start3A_141 = arith.constant 0 : i32
    %dma_start3A_142 = tpu.memref_slice %arg3[%add3A_140, %dma_start3A_141] : memref<262144x128xf32, #tpu.memory_space<hbm>> -> memref<248x128xf32, #tpu.memory_space<hbm>>
    %dma_start3A_143 = arith.constant 0 : i32
    %dma_start3A_144 = tpu.memref_slice %arg3[%add3A_140, %dma_start3A_143] : memref<262144x128xf32, #tpu.memory_space<hbm>> -> memref<248x128xf32, #tpu.memory_space<hbm>>
    tpu.enqueue_dma source(%arg6 : memref<248x128xf32, #tpu.memory_space<vmem>>) target(%dma_start3A_144 : memref<248x128xf32, #tpu.memory_space<hbm>>) target_semaphore(%arg14 : memref<!tpu.dma_semaphore, #tpu.memory_space<semaphore_mem>>)
    %dma_wait3A_145 = arith.constant 0 : i32
    %dma_wait3A_146 = tpu.memref_slice %arg3[%add3A_120, %dma_wait3A_145] : memref<262144x128xf32, #tpu.memory_space<hbm>> -> memref<248x128xf32, #tpu.memory_space<hbm>>
    %dma_wait3A_147 = arith.constant 0 : i32
    %dma_wait3A_148 = tpu.memref_slice %arg3[%add3A_120, %dma_wait3A_147] : memref<262144x128xf32, #tpu.memory_space<hbm>> -> memref<248x128xf32, #tpu.memory_space<hbm>>
    tpu.wait_dma2 semaphore(%arg13 : memref<!tpu.dma_semaphore, #tpu.memory_space<semaphore_mem>>) src(%arg5 : memref<248x128xf32, #tpu.memory_space<vmem>>) dst(%dma_wait3A_148 : memref<248x128xf32, #tpu.memory_space<hbm>>)
    %add3A_149 = arith.constant 2232 : i32
    %add3A_150 = arith.addi %mul3A_2, %add3A_149 : i32
    %dma_start3A_151 = arith.constant 0 : i32
    %dma_start3A_152 = tpu.memref_slice %arg2[%add3A_150, %dma_start3A_151] : memref<262144x128xf32, #tpu.memory_space<hbm>> -> memref<248x128xf32, #tpu.memory_space<hbm>>
    %dma_start3A_153 = arith.constant 0 : i32
    %dma_start3A_154 = tpu.memref_slice %arg2[%add3A_150, %dma_start3A_153] : memref<262144x128xf32, #tpu.memory_space<hbm>> -> memref<248x128xf32, #tpu.memory_space<hbm>>
    tpu.enqueue_dma source(%dma_start3A_154 : memref<248x128xf32, #tpu.memory_space<hbm>>) target(%arg5 : memref<248x128xf32, #tpu.memory_space<vmem>>) target_semaphore(%arg9 : memref<!tpu.dma_semaphore, #tpu.memory_space<semaphore_mem>>)
    %dma_wait3A_155 = arith.constant 0 : i32
    %dma_wait3A_156 = tpu.memref_slice %arg2[%add3A_110, %dma_wait3A_155] : memref<262144x128xf32, #tpu.memory_space<hbm>> -> memref<248x128xf32, #tpu.memory_space<hbm>>
    %dma_wait3A_157 = arith.constant 0 : i32
    %dma_wait3A_158 = tpu.memref_slice %arg2[%add3A_110, %dma_wait3A_157] : memref<262144x128xf32, #tpu.memory_space<hbm>> -> memref<248x128xf32, #tpu.memory_space<hbm>>
    tpu.wait_dma2 semaphore(%arg11 : memref<!tpu.dma_semaphore, #tpu.memory_space<semaphore_mem>>) src(%dma_wait3A_158 : memref<248x128xf32, #tpu.memory_space<hbm>>) dst(%arg7 : memref<248x128xf32, #tpu.memory_space<vmem>>)
    %add3A_159 = arith.constant 1736 : i32
    %add3A_160 = arith.addi %mul3A_2, %add3A_159 : i32
    %dma_start3A_161 = arith.constant 0 : i32
    %dma_start3A_162 = tpu.memref_slice %arg3[%add3A_160, %dma_start3A_161] : memref<262144x128xf32, #tpu.memory_space<hbm>> -> memref<248x128xf32, #tpu.memory_space<hbm>>
    %dma_start3A_163 = arith.constant 0 : i32
    %dma_start3A_164 = tpu.memref_slice %arg3[%add3A_160, %dma_start3A_163] : memref<262144x128xf32, #tpu.memory_space<hbm>> -> memref<248x128xf32, #tpu.memory_space<hbm>>
    tpu.enqueue_dma source(%arg7 : memref<248x128xf32, #tpu.memory_space<vmem>>) target(%dma_start3A_164 : memref<248x128xf32, #tpu.memory_space<hbm>>) target_semaphore(%arg15 : memref<!tpu.dma_semaphore, #tpu.memory_space<semaphore_mem>>)
    %dma_wait3A_165 = arith.constant 0 : i32
    %dma_wait3A_166 = tpu.memref_slice %arg3[%add3A_140, %dma_wait3A_165] : memref<262144x128xf32, #tpu.memory_space<hbm>> -> memref<248x128xf32, #tpu.memory_space<hbm>>
    %dma_wait3A_167 = arith.constant 0 : i32
    %dma_wait3A_168 = tpu.memref_slice %arg3[%add3A_140, %dma_wait3A_167] : memref<262144x128xf32, #tpu.memory_space<hbm>> -> memref<248x128xf32, #tpu.memory_space<hbm>>
    tpu.wait_dma2 semaphore(%arg14 : memref<!tpu.dma_semaphore, #tpu.memory_space<semaphore_mem>>) src(%arg6 : memref<248x128xf32, #tpu.memory_space<vmem>>) dst(%dma_wait3A_168 : memref<248x128xf32, #tpu.memory_space<hbm>>)
    %add3A_169 = arith.constant 2480 : i32
    %add3A_170 = arith.addi %mul3A_2, %add3A_169 : i32
    %dma_start3A_171 = arith.constant 0 : i32
    %dma_start3A_172 = tpu.memref_slice %arg2[%add3A_170, %dma_start3A_171] : memref<262144x128xf32, #tpu.memory_space<hbm>> -> memref<248x128xf32, #tpu.memory_space<hbm>>
    %dma_start3A_173 = arith.constant 0 : i32
    %dma_start3A_174 = tpu.memref_slice %arg2[%add3A_170, %dma_start3A_173] : memref<262144x128xf32, #tpu.memory_space<hbm>> -> memref<248x128xf32, #tpu.memory_space<hbm>>
    tpu.enqueue_dma source(%dma_start3A_174 : memref<248x128xf32, #tpu.memory_space<hbm>>) target(%arg6 : memref<248x128xf32, #tpu.memory_space<vmem>>) target_semaphore(%arg10 : memref<!tpu.dma_semaphore, #tpu.memory_space<semaphore_mem>>)
    %dma_wait3A_175 = arith.constant 0 : i32
    %dma_wait3A_176 = tpu.memref_slice %arg2[%add3A_130, %dma_wait3A_175] : memref<262144x128xf32, #tpu.memory_space<hbm>> -> memref<248x128xf32, #tpu.memory_space<hbm>>
    %dma_wait3A_177 = arith.constant 0 : i32
    %dma_wait3A_178 = tpu.memref_slice %arg2[%add3A_130, %dma_wait3A_177] : memref<262144x128xf32, #tpu.memory_space<hbm>> -> memref<248x128xf32, #tpu.memory_space<hbm>>
    tpu.wait_dma2 semaphore(%arg8 : memref<!tpu.dma_semaphore, #tpu.memory_space<semaphore_mem>>) src(%dma_wait3A_178 : memref<248x128xf32, #tpu.memory_space<hbm>>) dst(%arg4 : memref<248x128xf32, #tpu.memory_space<vmem>>)
    %add3A_179 = arith.constant 1984 : i32
    %add3A_180 = arith.addi %mul3A_2, %add3A_179 : i32
    %dma_start3A_181 = arith.constant 0 : i32
    %dma_start3A_182 = tpu.memref_slice %arg3[%add3A_180, %dma_start3A_181] : memref<262144x128xf32, #tpu.memory_space<hbm>> -> memref<248x128xf32, #tpu.memory_space<hbm>>
    %dma_start3A_183 = arith.constant 0 : i32
    %dma_start3A_184 = tpu.memref_slice %arg3[%add3A_180, %dma_start3A_183] : memref<262144x128xf32, #tpu.memory_space<hbm>> -> memref<248x128xf32, #tpu.memory_space<hbm>>
    tpu.enqueue_dma source(%arg4 : memref<248x128xf32, #tpu.memory_space<vmem>>) target(%dma_start3A_184 : memref<248x128xf32, #tpu.memory_space<hbm>>) target_semaphore(%arg12 : memref<!tpu.dma_semaphore, #tpu.memory_space<semaphore_mem>>)
    %dma_wait3A_185 = arith.constant 0 : i32
    %dma_wait3A_186 = tpu.memref_slice %arg3[%add3A_160, %dma_wait3A_185] : memref<262144x128xf32, #tpu.memory_space<hbm>> -> memref<248x128xf32, #tpu.memory_space<hbm>>
    %dma_wait3A_187 = arith.constant 0 : i32
    %dma_wait3A_188 = tpu.memref_slice %arg3[%add3A_160, %dma_wait3A_187] : memref<262144x128xf32, #tpu.memory_space<hbm>> -> memref<248x128xf32, #tpu.memory_space<hbm>>
    tpu.wait_dma2 semaphore(%arg15 : memref<!tpu.dma_semaphore, #tpu.memory_space<semaphore_mem>>) src(%arg7 : memref<248x128xf32, #tpu.memory_space<vmem>>) dst(%dma_wait3A_188 : memref<248x128xf32, #tpu.memory_space<hbm>>)
    %add3A_189 = arith.constant 2728 : i32
    %add3A_190 = arith.addi %mul3A_2, %add3A_189 : i32
    %dma_start3A_191 = arith.constant 0 : i32
    %dma_start3A_192 = tpu.memref_slice %arg2[%add3A_190, %dma_start3A_191] : memref<262144x128xf32, #tpu.memory_space<hbm>> -> memref<248x128xf32, #tpu.memory_space<hbm>>
    %dma_start3A_193 = arith.constant 0 : i32
    %dma_start3A_194 = tpu.memref_slice %arg2[%add3A_190, %dma_start3A_193] : memref<262144x128xf32, #tpu.memory_space<hbm>> -> memref<248x128xf32, #tpu.memory_space<hbm>>
    tpu.enqueue_dma source(%dma_start3A_194 : memref<248x128xf32, #tpu.memory_space<hbm>>) target(%arg7 : memref<248x128xf32, #tpu.memory_space<vmem>>) target_semaphore(%arg11 : memref<!tpu.dma_semaphore, #tpu.memory_space<semaphore_mem>>)
    %dma_wait3A_195 = arith.constant 0 : i32
    %dma_wait3A_196 = tpu.memref_slice %arg2[%add3A_150, %dma_wait3A_195] : memref<262144x128xf32, #tpu.memory_space<hbm>> -> memref<248x128xf32, #tpu.memory_space<hbm>>
    %dma_wait3A_197 = arith.constant 0 : i32
    %dma_wait3A_198 = tpu.memref_slice %arg2[%add3A_150, %dma_wait3A_197] : memref<262144x128xf32, #tpu.memory_space<hbm>> -> memref<248x128xf32, #tpu.memory_space<hbm>>
    tpu.wait_dma2 semaphore(%arg9 : memref<!tpu.dma_semaphore, #tpu.memory_space<semaphore_mem>>) src(%dma_wait3A_198 : memref<248x128xf32, #tpu.memory_space<hbm>>) dst(%arg5 : memref<248x128xf32, #tpu.memory_space<vmem>>)
    %add3A_199 = arith.constant 2232 : i32
    %add3A_200 = arith.addi %mul3A_2, %add3A_199 : i32
    %dma_start3A_201 = arith.constant 0 : i32
    %dma_start3A_202 = tpu.memref_slice %arg3[%add3A_200, %dma_start3A_201] : memref<262144x128xf32, #tpu.memory_space<hbm>> -> memref<248x128xf32, #tpu.memory_space<hbm>>
    %dma_start3A_203 = arith.constant 0 : i32
    %dma_start3A_204 = tpu.memref_slice %arg3[%add3A_200, %dma_start3A_203] : memref<262144x128xf32, #tpu.memory_space<hbm>> -> memref<248x128xf32, #tpu.memory_space<hbm>>
    tpu.enqueue_dma source(%arg5 : memref<248x128xf32, #tpu.memory_space<vmem>>) target(%dma_start3A_204 : memref<248x128xf32, #tpu.memory_space<hbm>>) target_semaphore(%arg13 : memref<!tpu.dma_semaphore, #tpu.memory_space<semaphore_mem>>)
    %dma_wait3A_205 = arith.constant 0 : i32
    %dma_wait3A_206 = tpu.memref_slice %arg3[%add3A_180, %dma_wait3A_205] : memref<262144x128xf32, #tpu.memory_space<hbm>> -> memref<248x128xf32, #tpu.memory_space<hbm>>
    %dma_wait3A_207 = arith.constant 0 : i32
    %dma_wait3A_208 = tpu.memref_slice %arg3[%add3A_180, %dma_wait3A_207] : memref<262144x128xf32, #tpu.memory_space<hbm>> -> memref<248x128xf32, #tpu.memory_space<hbm>>
    tpu.wait_dma2 semaphore(%arg12 : memref<!tpu.dma_semaphore, #tpu.memory_space<semaphore_mem>>) src(%arg4 : memref<248x128xf32, #tpu.memory_space<vmem>>) dst(%dma_wait3A_208 : memref<248x128xf32, #tpu.memory_space<hbm>>)
    %add3A_209 = arith.constant 2976 : i32
    %add3A_210 = arith.addi %mul3A_2, %add3A_209 : i32
    %dma_start3A_211 = arith.constant 0 : i32
    %dma_start3A_212 = tpu.memref_slice %arg2[%add3A_210, %dma_start3A_211] : memref<262144x128xf32, #tpu.memory_space<hbm>> -> memref<248x128xf32, #tpu.memory_space<hbm>>
    %dma_start3A_213 = arith.constant 0 : i32
    %dma_start3A_214 = tpu.memref_slice %arg2[%add3A_210, %dma_start3A_213] : memref<262144x128xf32, #tpu.memory_space<hbm>> -> memref<248x128xf32, #tpu.memory_space<hbm>>
    tpu.enqueue_dma source(%dma_start3A_214 : memref<248x128xf32, #tpu.memory_space<hbm>>) target(%arg4 : memref<248x128xf32, #tpu.memory_space<vmem>>) target_semaphore(%arg8 : memref<!tpu.dma_semaphore, #tpu.memory_space<semaphore_mem>>)
    %dma_wait3A_215 = arith.constant 0 : i32
    %dma_wait3A_216 = tpu.memref_slice %arg2[%add3A_170, %dma_wait3A_215] : memref<262144x128xf32, #tpu.memory_space<hbm>> -> memref<248x128xf32, #tpu.memory_space<hbm>>
    %dma_wait3A_217 = arith.constant 0 : i32
    %dma_wait3A_218 = tpu.memref_slice %arg2[%add3A_170, %dma_wait3A_217] : memref<262144x128xf32, #tpu.memory_space<hbm>> -> memref<248x128xf32, #tpu.memory_space<hbm>>
    tpu.wait_dma2 semaphore(%arg10 : memref<!tpu.dma_semaphore, #tpu.memory_space<semaphore_mem>>) src(%dma_wait3A_218 : memref<248x128xf32, #tpu.memory_space<hbm>>) dst(%arg6 : memref<248x128xf32, #tpu.memory_space<vmem>>)
    %add3A_219 = arith.constant 2480 : i32
    %add3A_220 = arith.addi %mul3A_2, %add3A_219 : i32
    %dma_start3A_221 = arith.constant 0 : i32
    %dma_start3A_222 = tpu.memref_slice %arg3[%add3A_220, %dma_start3A_221] : memref<262144x128xf32, #tpu.memory_space<hbm>> -> memref<248x128xf32, #tpu.memory_space<hbm>>
    %dma_start3A_223 = arith.constant 0 : i32
    %dma_start3A_224 = tpu.memref_slice %arg3[%add3A_220, %dma_start3A_223] : memref<262144x128xf32, #tpu.memory_space<hbm>> -> memref<248x128xf32, #tpu.memory_space<hbm>>
    tpu.enqueue_dma source(%arg6 : memref<248x128xf32, #tpu.memory_space<vmem>>) target(%dma_start3A_224 : memref<248x128xf32, #tpu.memory_space<hbm>>) target_semaphore(%arg14 : memref<!tpu.dma_semaphore, #tpu.memory_space<semaphore_mem>>)
    %dma_wait3A_225 = arith.constant 0 : i32
    %dma_wait3A_226 = tpu.memref_slice %arg3[%add3A_200, %dma_wait3A_225] : memref<262144x128xf32, #tpu.memory_space<hbm>> -> memref<248x128xf32, #tpu.memory_space<hbm>>
    %dma_wait3A_227 = arith.constant 0 : i32
    %dma_wait3A_228 = tpu.memref_slice %arg3[%add3A_200, %dma_wait3A_227] : memref<262144x128xf32, #tpu.memory_space<hbm>> -> memref<248x128xf32, #tpu.memory_space<hbm>>
    tpu.wait_dma2 semaphore(%arg13 : memref<!tpu.dma_semaphore, #tpu.memory_space<semaphore_mem>>) src(%arg5 : memref<248x128xf32, #tpu.memory_space<vmem>>) dst(%dma_wait3A_228 : memref<248x128xf32, #tpu.memory_space<hbm>>)
    %add3A_229 = arith.constant 3224 : i32
    %add3A_230 = arith.addi %mul3A_2, %add3A_229 : i32
    %dma_start3A_231 = arith.constant 0 : i32
    %dma_start3A_232 = tpu.memref_slice %arg2[%add3A_230, %dma_start3A_231] : memref<262144x128xf32, #tpu.memory_space<hbm>> -> memref<248x128xf32, #tpu.memory_space<hbm>>
    %dma_start3A_233 = arith.constant 0 : i32
    %dma_start3A_234 = tpu.memref_slice %arg2[%add3A_230, %dma_start3A_233] : memref<262144x128xf32, #tpu.memory_space<hbm>> -> memref<248x128xf32, #tpu.memory_space<hbm>>
    tpu.enqueue_dma source(%dma_start3A_234 : memref<248x128xf32, #tpu.memory_space<hbm>>) target(%arg5 : memref<248x128xf32, #tpu.memory_space<vmem>>) target_semaphore(%arg9 : memref<!tpu.dma_semaphore, #tpu.memory_space<semaphore_mem>>)
    %dma_wait3A_235 = arith.constant 0 : i32
    %dma_wait3A_236 = tpu.memref_slice %arg2[%add3A_190, %dma_wait3A_235] : memref<262144x128xf32, #tpu.memory_space<hbm>> -> memref<248x128xf32, #tpu.memory_space<hbm>>
    %dma_wait3A_237 = arith.constant 0 : i32
    %dma_wait3A_238 = tpu.memref_slice %arg2[%add3A_190, %dma_wait3A_237] : memref<262144x128xf32, #tpu.memory_space<hbm>> -> memref<248x128xf32, #tpu.memory_space<hbm>>
    tpu.wait_dma2 semaphore(%arg11 : memref<!tpu.dma_semaphore, #tpu.memory_space<semaphore_mem>>) src(%dma_wait3A_238 : memref<248x128xf32, #tpu.memory_space<hbm>>) dst(%arg7 : memref<248x128xf32, #tpu.memory_space<vmem>>)
    %add3A_239 = arith.constant 2728 : i32
    %add3A_240 = arith.addi %mul3A_2, %add3A_239 : i32
    %dma_start3A_241 = arith.constant 0 : i32
    %dma_start3A_242 = tpu.memref_slice %arg3[%add3A_240, %dma_start3A_241] : memref<262144x128xf32, #tpu.memory_space<hbm>> -> memref<248x128xf32, #tpu.memory_space<hbm>>
    %dma_start3A_243 = arith.constant 0 : i32
    %dma_start3A_244 = tpu.memref_slice %arg3[%add3A_240, %dma_start3A_243] : memref<262144x128xf32, #tpu.memory_space<hbm>> -> memref<248x128xf32, #tpu.memory_space<hbm>>
    tpu.enqueue_dma source(%arg7 : memref<248x128xf32, #tpu.memory_space<vmem>>) target(%dma_start3A_244 : memref<248x128xf32, #tpu.memory_space<hbm>>) target_semaphore(%arg15 : memref<!tpu.dma_semaphore, #tpu.memory_space<semaphore_mem>>)
    %dma_wait3A_245 = arith.constant 0 : i32
    %dma_wait3A_246 = tpu.memref_slice %arg3[%add3A_220, %dma_wait3A_245] : memref<262144x128xf32, #tpu.memory_space<hbm>> -> memref<248x128xf32, #tpu.memory_space<hbm>>
    %dma_wait3A_247 = arith.constant 0 : i32
    %dma_wait3A_248 = tpu.memref_slice %arg3[%add3A_220, %dma_wait3A_247] : memref<262144x128xf32, #tpu.memory_space<hbm>> -> memref<248x128xf32, #tpu.memory_space<hbm>>
    tpu.wait_dma2 semaphore(%arg14 : memref<!tpu.dma_semaphore, #tpu.memory_space<semaphore_mem>>) src(%arg6 : memref<248x128xf32, #tpu.memory_space<vmem>>) dst(%dma_wait3A_248 : memref<248x128xf32, #tpu.memory_space<hbm>>)
    %add3A_249 = arith.constant 3472 : i32
    %add3A_250 = arith.addi %mul3A_2, %add3A_249 : i32
    %dma_start3A_251 = arith.constant 0 : i32
    %dma_start3A_252 = tpu.memref_slice %arg2[%add3A_250, %dma_start3A_251] : memref<262144x128xf32, #tpu.memory_space<hbm>> -> memref<248x128xf32, #tpu.memory_space<hbm>>
    %dma_start3A_253 = arith.constant 0 : i32
    %dma_start3A_254 = tpu.memref_slice %arg2[%add3A_250, %dma_start3A_253] : memref<262144x128xf32, #tpu.memory_space<hbm>> -> memref<248x128xf32, #tpu.memory_space<hbm>>
    tpu.enqueue_dma source(%dma_start3A_254 : memref<248x128xf32, #tpu.memory_space<hbm>>) target(%arg6 : memref<248x128xf32, #tpu.memory_space<vmem>>) target_semaphore(%arg10 : memref<!tpu.dma_semaphore, #tpu.memory_space<semaphore_mem>>)
    %dma_wait3A_255 = arith.constant 0 : i32
    %dma_wait3A_256 = tpu.memref_slice %arg2[%add3A_210, %dma_wait3A_255] : memref<262144x128xf32, #tpu.memory_space<hbm>> -> memref<248x128xf32, #tpu.memory_space<hbm>>
    %dma_wait3A_257 = arith.constant 0 : i32
    %dma_wait3A_258 = tpu.memref_slice %arg2[%add3A_210, %dma_wait3A_257] : memref<262144x128xf32, #tpu.memory_space<hbm>> -> memref<248x128xf32, #tpu.memory_space<hbm>>
    tpu.wait_dma2 semaphore(%arg8 : memref<!tpu.dma_semaphore, #tpu.memory_space<semaphore_mem>>) src(%dma_wait3A_258 : memref<248x128xf32, #tpu.memory_space<hbm>>) dst(%arg4 : memref<248x128xf32, #tpu.memory_space<vmem>>)
    %add3A_259 = arith.constant 2976 : i32
    %add3A_260 = arith.addi %mul3A_2, %add3A_259 : i32
    %dma_start3A_261 = arith.constant 0 : i32
    %dma_start3A_262 = tpu.memref_slice %arg3[%add3A_260, %dma_start3A_261] : memref<262144x128xf32, #tpu.memory_space<hbm>> -> memref<248x128xf32, #tpu.memory_space<hbm>>
    %dma_start3A_263 = arith.constant 0 : i32
    %dma_start3A_264 = tpu.memref_slice %arg3[%add3A_260, %dma_start3A_263] : memref<262144x128xf32, #tpu.memory_space<hbm>> -> memref<248x128xf32, #tpu.memory_space<hbm>>
    tpu.enqueue_dma source(%arg4 : memref<248x128xf32, #tpu.memory_space<vmem>>) target(%dma_start3A_264 : memref<248x128xf32, #tpu.memory_space<hbm>>) target_semaphore(%arg12 : memref<!tpu.dma_semaphore, #tpu.memory_space<semaphore_mem>>)
    %dma_wait3A_265 = arith.constant 0 : i32
    %dma_wait3A_266 = tpu.memref_slice %arg3[%add3A_240, %dma_wait3A_265] : memref<262144x128xf32, #tpu.memory_space<hbm>> -> memref<248x128xf32, #tpu.memory_space<hbm>>
    %dma_wait3A_267 = arith.constant 0 : i32
    %dma_wait3A_268 = tpu.memref_slice %arg3[%add3A_240, %dma_wait3A_267] : memref<262144x128xf32, #tpu.memory_space<hbm>> -> memref<248x128xf32, #tpu.memory_space<hbm>>
    tpu.wait_dma2 semaphore(%arg15 : memref<!tpu.dma_semaphore, #tpu.memory_space<semaphore_mem>>) src(%arg7 : memref<248x128xf32, #tpu.memory_space<vmem>>) dst(%dma_wait3A_268 : memref<248x128xf32, #tpu.memory_space<hbm>>)
    %add3A_269 = arith.constant 3720 : i32
    %add3A_270 = arith.addi %mul3A_2, %add3A_269 : i32
    %dma_start3A_271 = arith.constant 0 : i32
    %dma_start3A_272 = tpu.memref_slice %arg2[%add3A_270, %dma_start3A_271] : memref<262144x128xf32, #tpu.memory_space<hbm>> -> memref<248x128xf32, #tpu.memory_space<hbm>>
    %dma_start3A_273 = arith.constant 0 : i32
    %dma_start3A_274 = tpu.memref_slice %arg2[%add3A_270, %dma_start3A_273] : memref<262144x128xf32, #tpu.memory_space<hbm>> -> memref<248x128xf32, #tpu.memory_space<hbm>>
    tpu.enqueue_dma source(%dma_start3A_274 : memref<248x128xf32, #tpu.memory_space<hbm>>) target(%arg7 : memref<248x128xf32, #tpu.memory_space<vmem>>) target_semaphore(%arg11 : memref<!tpu.dma_semaphore, #tpu.memory_space<semaphore_mem>>)
    %dma_wait3A_275 = arith.constant 0 : i32
    %dma_wait3A_276 = tpu.memref_slice %arg2[%add3A_230, %dma_wait3A_275] : memref<262144x128xf32, #tpu.memory_space<hbm>> -> memref<248x128xf32, #tpu.memory_space<hbm>>
    %dma_wait3A_277 = arith.constant 0 : i32
    %dma_wait3A_278 = tpu.memref_slice %arg2[%add3A_230, %dma_wait3A_277] : memref<262144x128xf32, #tpu.memory_space<hbm>> -> memref<248x128xf32, #tpu.memory_space<hbm>>
    tpu.wait_dma2 semaphore(%arg9 : memref<!tpu.dma_semaphore, #tpu.memory_space<semaphore_mem>>) src(%dma_wait3A_278 : memref<248x128xf32, #tpu.memory_space<hbm>>) dst(%arg5 : memref<248x128xf32, #tpu.memory_space<vmem>>)
    %add3A_279 = arith.constant 3224 : i32
    %add3A_280 = arith.addi %mul3A_2, %add3A_279 : i32
    %dma_start3A_281 = arith.constant 0 : i32
    %dma_start3A_282 = tpu.memref_slice %arg3[%add3A_280, %dma_start3A_281] : memref<262144x128xf32, #tpu.memory_space<hbm>> -> memref<248x128xf32, #tpu.memory_space<hbm>>
    %dma_start3A_283 = arith.constant 0 : i32
    %dma_start3A_284 = tpu.memref_slice %arg3[%add3A_280, %dma_start3A_283] : memref<262144x128xf32, #tpu.memory_space<hbm>> -> memref<248x128xf32, #tpu.memory_space<hbm>>
    tpu.enqueue_dma source(%arg5 : memref<248x128xf32, #tpu.memory_space<vmem>>) target(%dma_start3A_284 : memref<248x128xf32, #tpu.memory_space<hbm>>) target_semaphore(%arg13 : memref<!tpu.dma_semaphore, #tpu.memory_space<semaphore_mem>>)
    %dma_wait3A_285 = arith.constant 0 : i32
    %dma_wait3A_286 = tpu.memref_slice %arg3[%add3A_260, %dma_wait3A_285] : memref<262144x128xf32, #tpu.memory_space<hbm>> -> memref<248x128xf32, #tpu.memory_space<hbm>>
    %dma_wait3A_287 = arith.constant 0 : i32
    %dma_wait3A_288 = tpu.memref_slice %arg3[%add3A_260, %dma_wait3A_287] : memref<262144x128xf32, #tpu.memory_space<hbm>> -> memref<248x128xf32, #tpu.memory_space<hbm>>
    tpu.wait_dma2 semaphore(%arg12 : memref<!tpu.dma_semaphore, #tpu.memory_space<semaphore_mem>>) src(%arg4 : memref<248x128xf32, #tpu.memory_space<vmem>>) dst(%dma_wait3A_288 : memref<248x128xf32, #tpu.memory_space<hbm>>)
    %add3A_289 = arith.constant 3968 : i32
    %add3A_290 = arith.addi %mul3A_2, %add3A_289 : i32
    %dma_start3A_291 = arith.constant 0 : i32
    %dma_start3A_292 = tpu.memref_slice %arg2[%add3A_290, %dma_start3A_291] : memref<262144x128xf32, #tpu.memory_space<hbm>> -> memref<248x128xf32, #tpu.memory_space<hbm>>
    %dma_start3A_293 = arith.constant 0 : i32
    %dma_start3A_294 = tpu.memref_slice %arg2[%add3A_290, %dma_start3A_293] : memref<262144x128xf32, #tpu.memory_space<hbm>> -> memref<248x128xf32, #tpu.memory_space<hbm>>
    tpu.enqueue_dma source(%dma_start3A_294 : memref<248x128xf32, #tpu.memory_space<hbm>>) target(%arg4 : memref<248x128xf32, #tpu.memory_space<vmem>>) target_semaphore(%arg8 : memref<!tpu.dma_semaphore, #tpu.memory_space<semaphore_mem>>)
    %dma_wait3A_295 = arith.constant 0 : i32
    %dma_wait3A_296 = tpu.memref_slice %arg2[%add3A_250, %dma_wait3A_295] : memref<262144x128xf32, #tpu.memory_space<hbm>> -> memref<248x128xf32, #tpu.memory_space<hbm>>
    %dma_wait3A_297 = arith.constant 0 : i32
    %dma_wait3A_298 = tpu.memref_slice %arg2[%add3A_250, %dma_wait3A_297] : memref<262144x128xf32, #tpu.memory_space<hbm>> -> memref<248x128xf32, #tpu.memory_space<hbm>>
    tpu.wait_dma2 semaphore(%arg10 : memref<!tpu.dma_semaphore, #tpu.memory_space<semaphore_mem>>) src(%dma_wait3A_298 : memref<248x128xf32, #tpu.memory_space<hbm>>) dst(%arg6 : memref<248x128xf32, #tpu.memory_space<vmem>>)
    %add3A_299 = arith.constant 3472 : i32
    %add3A_300 = arith.addi %mul3A_2, %add3A_299 : i32
    %dma_start3A_301 = arith.constant 0 : i32
    %dma_start3A_302 = tpu.memref_slice %arg3[%add3A_300, %dma_start3A_301] : memref<262144x128xf32, #tpu.memory_space<hbm>> -> memref<248x128xf32, #tpu.memory_space<hbm>>
    %dma_start3A_303 = arith.constant 0 : i32
    %dma_start3A_304 = tpu.memref_slice %arg3[%add3A_300, %dma_start3A_303] : memref<262144x128xf32, #tpu.memory_space<hbm>> -> memref<248x128xf32, #tpu.memory_space<hbm>>
    tpu.enqueue_dma source(%arg6 : memref<248x128xf32, #tpu.memory_space<vmem>>) target(%dma_start3A_304 : memref<248x128xf32, #tpu.memory_space<hbm>>) target_semaphore(%arg14 : memref<!tpu.dma_semaphore, #tpu.memory_space<semaphore_mem>>)
    %dma_wait3A_305 = arith.constant 0 : i32
    %dma_wait3A_306 = tpu.memref_slice %arg3[%add3A_280, %dma_wait3A_305] : memref<262144x128xf32, #tpu.memory_space<hbm>> -> memref<248x128xf32, #tpu.memory_space<hbm>>
    %dma_wait3A_307 = arith.constant 0 : i32
    %dma_wait3A_308 = tpu.memref_slice %arg3[%add3A_280, %dma_wait3A_307] : memref<262144x128xf32, #tpu.memory_space<hbm>> -> memref<248x128xf32, #tpu.memory_space<hbm>>
    tpu.wait_dma2 semaphore(%arg13 : memref<!tpu.dma_semaphore, #tpu.memory_space<semaphore_mem>>) src(%arg5 : memref<248x128xf32, #tpu.memory_space<vmem>>) dst(%dma_wait3A_308 : memref<248x128xf32, #tpu.memory_space<hbm>>)
    %add3A_309 = arith.constant 4216 : i32
    %add3A_310 = arith.addi %mul3A_2, %add3A_309 : i32
    %dma_start3A_311 = arith.constant 0 : i32
    %dma_start3A_312 = tpu.memref_slice %arg2[%add3A_310, %dma_start3A_311] : memref<262144x128xf32, #tpu.memory_space<hbm>> -> memref<248x128xf32, #tpu.memory_space<hbm>>
    %dma_start3A_313 = arith.constant 0 : i32
    %dma_start3A_314 = tpu.memref_slice %arg2[%add3A_310, %dma_start3A_313] : memref<262144x128xf32, #tpu.memory_space<hbm>> -> memref<248x128xf32, #tpu.memory_space<hbm>>
    tpu.enqueue_dma source(%dma_start3A_314 : memref<248x128xf32, #tpu.memory_space<hbm>>) target(%arg5 : memref<248x128xf32, #tpu.memory_space<vmem>>) target_semaphore(%arg9 : memref<!tpu.dma_semaphore, #tpu.memory_space<semaphore_mem>>)
    %dma_wait3A_315 = arith.constant 0 : i32
    %dma_wait3A_316 = tpu.memref_slice %arg2[%add3A_270, %dma_wait3A_315] : memref<262144x128xf32, #tpu.memory_space<hbm>> -> memref<248x128xf32, #tpu.memory_space<hbm>>
    %dma_wait3A_317 = arith.constant 0 : i32
    %dma_wait3A_318 = tpu.memref_slice %arg2[%add3A_270, %dma_wait3A_317] : memref<262144x128xf32, #tpu.memory_space<hbm>> -> memref<248x128xf32, #tpu.memory_space<hbm>>
    tpu.wait_dma2 semaphore(%arg11 : memref<!tpu.dma_semaphore, #tpu.memory_space<semaphore_mem>>) src(%dma_wait3A_318 : memref<248x128xf32, #tpu.memory_space<hbm>>) dst(%arg7 : memref<248x128xf32, #tpu.memory_space<vmem>>)
    %add3A_319 = arith.constant 3720 : i32
    %add3A_320 = arith.addi %mul3A_2, %add3A_319 : i32
    %dma_start3A_321 = arith.constant 0 : i32
    %dma_start3A_322 = tpu.memref_slice %arg3[%add3A_320, %dma_start3A_321] : memref<262144x128xf32, #tpu.memory_space<hbm>> -> memref<248x128xf32, #tpu.memory_space<hbm>>
    %dma_start3A_323 = arith.constant 0 : i32
    %dma_start3A_324 = tpu.memref_slice %arg3[%add3A_320, %dma_start3A_323] : memref<262144x128xf32, #tpu.memory_space<hbm>> -> memref<248x128xf32, #tpu.memory_space<hbm>>
    tpu.enqueue_dma source(%arg7 : memref<248x128xf32, #tpu.memory_space<vmem>>) target(%dma_start3A_324 : memref<248x128xf32, #tpu.memory_space<hbm>>) target_semaphore(%arg15 : memref<!tpu.dma_semaphore, #tpu.memory_space<semaphore_mem>>)
    %dma_wait3A_325 = arith.constant 0 : i32
    %dma_wait3A_326 = tpu.memref_slice %arg3[%add3A_300, %dma_wait3A_325] : memref<262144x128xf32, #tpu.memory_space<hbm>> -> memref<248x128xf32, #tpu.memory_space<hbm>>
    %dma_wait3A_327 = arith.constant 0 : i32
    %dma_wait3A_328 = tpu.memref_slice %arg3[%add3A_300, %dma_wait3A_327] : memref<262144x128xf32, #tpu.memory_space<hbm>> -> memref<248x128xf32, #tpu.memory_space<hbm>>
    tpu.wait_dma2 semaphore(%arg14 : memref<!tpu.dma_semaphore, #tpu.memory_space<semaphore_mem>>) src(%arg6 : memref<248x128xf32, #tpu.memory_space<vmem>>) dst(%dma_wait3A_328 : memref<248x128xf32, #tpu.memory_space<hbm>>)
    %add3A_329 = arith.constant 4464 : i32
    %add3A_330 = arith.addi %mul3A_2, %add3A_329 : i32
    %dma_start3A_331 = arith.constant 0 : i32
    %dma_start3A_332 = tpu.memref_slice %arg2[%add3A_330, %dma_start3A_331] : memref<262144x128xf32, #tpu.memory_space<hbm>> -> memref<248x128xf32, #tpu.memory_space<hbm>>
    %dma_start3A_333 = arith.constant 0 : i32
    %dma_start3A_334 = tpu.memref_slice %arg2[%add3A_330, %dma_start3A_333] : memref<262144x128xf32, #tpu.memory_space<hbm>> -> memref<248x128xf32, #tpu.memory_space<hbm>>
    tpu.enqueue_dma source(%dma_start3A_334 : memref<248x128xf32, #tpu.memory_space<hbm>>) target(%arg6 : memref<248x128xf32, #tpu.memory_space<vmem>>) target_semaphore(%arg10 : memref<!tpu.dma_semaphore, #tpu.memory_space<semaphore_mem>>)
    %dma_wait3A_335 = arith.constant 0 : i32
    %dma_wait3A_336 = tpu.memref_slice %arg2[%add3A_290, %dma_wait3A_335] : memref<262144x128xf32, #tpu.memory_space<hbm>> -> memref<248x128xf32, #tpu.memory_space<hbm>>
    %dma_wait3A_337 = arith.constant 0 : i32
    %dma_wait3A_338 = tpu.memref_slice %arg2[%add3A_290, %dma_wait3A_337] : memref<262144x128xf32, #tpu.memory_space<hbm>> -> memref<248x128xf32, #tpu.memory_space<hbm>>
    tpu.wait_dma2 semaphore(%arg8 : memref<!tpu.dma_semaphore, #tpu.memory_space<semaphore_mem>>) src(%dma_wait3A_338 : memref<248x128xf32, #tpu.memory_space<hbm>>) dst(%arg4 : memref<248x128xf32, #tpu.memory_space<vmem>>)
    %add3A_339 = arith.constant 3968 : i32
    %add3A_340 = arith.addi %mul3A_2, %add3A_339 : i32
    %dma_start3A_341 = arith.constant 0 : i32
    %dma_start3A_342 = tpu.memref_slice %arg3[%add3A_340, %dma_start3A_341] : memref<262144x128xf32, #tpu.memory_space<hbm>> -> memref<248x128xf32, #tpu.memory_space<hbm>>
    %dma_start3A_343 = arith.constant 0 : i32
    %dma_start3A_344 = tpu.memref_slice %arg3[%add3A_340, %dma_start3A_343] : memref<262144x128xf32, #tpu.memory_space<hbm>> -> memref<248x128xf32, #tpu.memory_space<hbm>>
    tpu.enqueue_dma source(%arg4 : memref<248x128xf32, #tpu.memory_space<vmem>>) target(%dma_start3A_344 : memref<248x128xf32, #tpu.memory_space<hbm>>) target_semaphore(%arg12 : memref<!tpu.dma_semaphore, #tpu.memory_space<semaphore_mem>>)
    %dma_wait3A_345 = arith.constant 0 : i32
    %dma_wait3A_346 = tpu.memref_slice %arg3[%add3A_320, %dma_wait3A_345] : memref<262144x128xf32, #tpu.memory_space<hbm>> -> memref<248x128xf32, #tpu.memory_space<hbm>>
    %dma_wait3A_347 = arith.constant 0 : i32
    %dma_wait3A_348 = tpu.memref_slice %arg3[%add3A_320, %dma_wait3A_347] : memref<262144x128xf32, #tpu.memory_space<hbm>> -> memref<248x128xf32, #tpu.memory_space<hbm>>
    tpu.wait_dma2 semaphore(%arg15 : memref<!tpu.dma_semaphore, #tpu.memory_space<semaphore_mem>>) src(%arg7 : memref<248x128xf32, #tpu.memory_space<vmem>>) dst(%dma_wait3A_348 : memref<248x128xf32, #tpu.memory_space<hbm>>)
    %add3A_349 = arith.constant 4712 : i32
    %add3A_350 = arith.addi %mul3A_2, %add3A_349 : i32
    %dma_start3A_351 = arith.constant 0 : i32
    %dma_start3A_352 = tpu.memref_slice %arg2[%add3A_350, %dma_start3A_351] : memref<262144x128xf32, #tpu.memory_space<hbm>> -> memref<248x128xf32, #tpu.memory_space<hbm>>
    %dma_start3A_353 = arith.constant 0 : i32
    %dma_start3A_354 = tpu.memref_slice %arg2[%add3A_350, %dma_start3A_353] : memref<262144x128xf32, #tpu.memory_space<hbm>> -> memref<248x128xf32, #tpu.memory_space<hbm>>
    tpu.enqueue_dma source(%dma_start3A_354 : memref<248x128xf32, #tpu.memory_space<hbm>>) target(%arg7 : memref<248x128xf32, #tpu.memory_space<vmem>>) target_semaphore(%arg11 : memref<!tpu.dma_semaphore, #tpu.memory_space<semaphore_mem>>)
    %dma_wait3A_355 = arith.constant 0 : i32
    %dma_wait3A_356 = tpu.memref_slice %arg2[%add3A_310, %dma_wait3A_355] : memref<262144x128xf32, #tpu.memory_space<hbm>> -> memref<248x128xf32, #tpu.memory_space<hbm>>
    %dma_wait3A_357 = arith.constant 0 : i32
    %dma_wait3A_358 = tpu.memref_slice %arg2[%add3A_310, %dma_wait3A_357] : memref<262144x128xf32, #tpu.memory_space<hbm>> -> memref<248x128xf32, #tpu.memory_space<hbm>>
    tpu.wait_dma2 semaphore(%arg9 : memref<!tpu.dma_semaphore, #tpu.memory_space<semaphore_mem>>) src(%dma_wait3A_358 : memref<248x128xf32, #tpu.memory_space<hbm>>) dst(%arg5 : memref<248x128xf32, #tpu.memory_space<vmem>>)
    %add3A_359 = arith.constant 4216 : i32
    %add3A_360 = arith.addi %mul3A_2, %add3A_359 : i32
    %dma_start3A_361 = arith.constant 0 : i32
    %dma_start3A_362 = tpu.memref_slice %arg3[%add3A_360, %dma_start3A_361] : memref<262144x128xf32, #tpu.memory_space<hbm>> -> memref<248x128xf32, #tpu.memory_space<hbm>>
    %dma_start3A_363 = arith.constant 0 : i32
    %dma_start3A_364 = tpu.memref_slice %arg3[%add3A_360, %dma_start3A_363] : memref<262144x128xf32, #tpu.memory_space<hbm>> -> memref<248x128xf32, #tpu.memory_space<hbm>>
    tpu.enqueue_dma source(%arg5 : memref<248x128xf32, #tpu.memory_space<vmem>>) target(%dma_start3A_364 : memref<248x128xf32, #tpu.memory_space<hbm>>) target_semaphore(%arg13 : memref<!tpu.dma_semaphore, #tpu.memory_space<semaphore_mem>>)
    %dma_wait3A_365 = arith.constant 0 : i32
    %dma_wait3A_366 = tpu.memref_slice %arg3[%add3A_340, %dma_wait3A_365] : memref<262144x128xf32, #tpu.memory_space<hbm>> -> memref<248x128xf32, #tpu.memory_space<hbm>>
    %dma_wait3A_367 = arith.constant 0 : i32
    %dma_wait3A_368 = tpu.memref_slice %arg3[%add3A_340, %dma_wait3A_367] : memref<262144x128xf32, #tpu.memory_space<hbm>> -> memref<248x128xf32, #tpu.memory_space<hbm>>
    tpu.wait_dma2 semaphore(%arg12 : memref<!tpu.dma_semaphore, #tpu.memory_space<semaphore_mem>>) src(%arg4 : memref<248x128xf32, #tpu.memory_space<vmem>>) dst(%dma_wait3A_368 : memref<248x128xf32, #tpu.memory_space<hbm>>)
    %add3A_369 = arith.constant 4960 : i32
    %add3A_370 = arith.addi %mul3A_2, %add3A_369 : i32
    %dma_start3A_371 = arith.constant 0 : i32
    %dma_start3A_372 = tpu.memref_slice %arg2[%add3A_370, %dma_start3A_371] : memref<262144x128xf32, #tpu.memory_space<hbm>> -> memref<248x128xf32, #tpu.memory_space<hbm>>
    %dma_start3A_373 = arith.constant 0 : i32
    %dma_start3A_374 = tpu.memref_slice %arg2[%add3A_370, %dma_start3A_373] : memref<262144x128xf32, #tpu.memory_space<hbm>> -> memref<248x128xf32, #tpu.memory_space<hbm>>
    tpu.enqueue_dma source(%dma_start3A_374 : memref<248x128xf32, #tpu.memory_space<hbm>>) target(%arg4 : memref<248x128xf32, #tpu.memory_space<vmem>>) target_semaphore(%arg8 : memref<!tpu.dma_semaphore, #tpu.memory_space<semaphore_mem>>)
    %dma_wait3A_375 = arith.constant 0 : i32
    %dma_wait3A_376 = tpu.memref_slice %arg2[%add3A_330, %dma_wait3A_375] : memref<262144x128xf32, #tpu.memory_space<hbm>> -> memref<248x128xf32, #tpu.memory_space<hbm>>
    %dma_wait3A_377 = arith.constant 0 : i32
    %dma_wait3A_378 = tpu.memref_slice %arg2[%add3A_330, %dma_wait3A_377] : memref<262144x128xf32, #tpu.memory_space<hbm>> -> memref<248x128xf32, #tpu.memory_space<hbm>>
    tpu.wait_dma2 semaphore(%arg10 : memref<!tpu.dma_semaphore, #tpu.memory_space<semaphore_mem>>) src(%dma_wait3A_378 : memref<248x128xf32, #tpu.memory_space<hbm>>) dst(%arg6 : memref<248x128xf32, #tpu.memory_space<vmem>>)
    %add3A_379 = arith.constant 4464 : i32
    %add3A_380 = arith.addi %mul3A_2, %add3A_379 : i32
    %dma_start3A_381 = arith.constant 0 : i32
    %dma_start3A_382 = tpu.memref_slice %arg3[%add3A_380, %dma_start3A_381] : memref<262144x128xf32, #tpu.memory_space<hbm>> -> memref<248x128xf32, #tpu.memory_space<hbm>>
    %dma_start3A_383 = arith.constant 0 : i32
    %dma_start3A_384 = tpu.memref_slice %arg3[%add3A_380, %dma_start3A_383] : memref<262144x128xf32, #tpu.memory_space<hbm>> -> memref<248x128xf32, #tpu.memory_space<hbm>>
    tpu.enqueue_dma source(%arg6 : memref<248x128xf32, #tpu.memory_space<vmem>>) target(%dma_start3A_384 : memref<248x128xf32, #tpu.memory_space<hbm>>) target_semaphore(%arg14 : memref<!tpu.dma_semaphore, #tpu.memory_space<semaphore_mem>>)
    %dma_wait3A_385 = arith.constant 0 : i32
    %dma_wait3A_386 = tpu.memref_slice %arg3[%add3A_360, %dma_wait3A_385] : memref<262144x128xf32, #tpu.memory_space<hbm>> -> memref<248x128xf32, #tpu.memory_space<hbm>>
    %dma_wait3A_387 = arith.constant 0 : i32
    %dma_wait3A_388 = tpu.memref_slice %arg3[%add3A_360, %dma_wait3A_387] : memref<262144x128xf32, #tpu.memory_space<hbm>> -> memref<248x128xf32, #tpu.memory_space<hbm>>
    tpu.wait_dma2 semaphore(%arg13 : memref<!tpu.dma_semaphore, #tpu.memory_space<semaphore_mem>>) src(%arg5 : memref<248x128xf32, #tpu.memory_space<vmem>>) dst(%dma_wait3A_388 : memref<248x128xf32, #tpu.memory_space<hbm>>)
    %add3A_389 = arith.constant 5208 : i32
    %add3A_390 = arith.addi %mul3A_2, %add3A_389 : i32
    %dma_start3A_391 = arith.constant 0 : i32
    %dma_start3A_392 = tpu.memref_slice %arg2[%add3A_390, %dma_start3A_391] : memref<262144x128xf32, #tpu.memory_space<hbm>> -> memref<248x128xf32, #tpu.memory_space<hbm>>
    %dma_start3A_393 = arith.constant 0 : i32
    %dma_start3A_394 = tpu.memref_slice %arg2[%add3A_390, %dma_start3A_393] : memref<262144x128xf32, #tpu.memory_space<hbm>> -> memref<248x128xf32, #tpu.memory_space<hbm>>
    tpu.enqueue_dma source(%dma_start3A_394 : memref<248x128xf32, #tpu.memory_space<hbm>>) target(%arg5 : memref<248x128xf32, #tpu.memory_space<vmem>>) target_semaphore(%arg9 : memref<!tpu.dma_semaphore, #tpu.memory_space<semaphore_mem>>)
    %dma_wait3A_395 = arith.constant 0 : i32
    %dma_wait3A_396 = tpu.memref_slice %arg2[%add3A_350, %dma_wait3A_395] : memref<262144x128xf32, #tpu.memory_space<hbm>> -> memref<248x128xf32, #tpu.memory_space<hbm>>
    %dma_wait3A_397 = arith.constant 0 : i32
    %dma_wait3A_398 = tpu.memref_slice %arg2[%add3A_350, %dma_wait3A_397] : memref<262144x128xf32, #tpu.memory_space<hbm>> -> memref<248x128xf32, #tpu.memory_space<hbm>>
    tpu.wait_dma2 semaphore(%arg11 : memref<!tpu.dma_semaphore, #tpu.memory_space<semaphore_mem>>) src(%dma_wait3A_398 : memref<248x128xf32, #tpu.memory_space<hbm>>) dst(%arg7 : memref<248x128xf32, #tpu.memory_space<vmem>>)
    %add3A_399 = arith.constant 4712 : i32
    %add3A_400 = arith.addi %mul3A_2, %add3A_399 : i32
    %dma_start3A_401 = arith.constant 0 : i32
    %dma_start3A_402 = tpu.memref_slice %arg3[%add3A_400, %dma_start3A_401] : memref<262144x128xf32, #tpu.memory_space<hbm>> -> memref<248x128xf32, #tpu.memory_space<hbm>>
    %dma_start3A_403 = arith.constant 0 : i32
    %dma_start3A_404 = tpu.memref_slice %arg3[%add3A_400, %dma_start3A_403] : memref<262144x128xf32, #tpu.memory_space<hbm>> -> memref<248x128xf32, #tpu.memory_space<hbm>>
    tpu.enqueue_dma source(%arg7 : memref<248x128xf32, #tpu.memory_space<vmem>>) target(%dma_start3A_404 : memref<248x128xf32, #tpu.memory_space<hbm>>) target_semaphore(%arg15 : memref<!tpu.dma_semaphore, #tpu.memory_space<semaphore_mem>>)
    %dma_wait3A_405 = arith.constant 0 : i32
    %dma_wait3A_406 = tpu.memref_slice %arg3[%add3A_380, %dma_wait3A_405] : memref<262144x128xf32, #tpu.memory_space<hbm>> -> memref<248x128xf32, #tpu.memory_space<hbm>>
    %dma_wait3A_407 = arith.constant 0 : i32
    %dma_wait3A_408 = tpu.memref_slice %arg3[%add3A_380, %dma_wait3A_407] : memref<262144x128xf32, #tpu.memory_space<hbm>> -> memref<248x128xf32, #tpu.memory_space<hbm>>
    tpu.wait_dma2 semaphore(%arg14 : memref<!tpu.dma_semaphore, #tpu.memory_space<semaphore_mem>>) src(%arg6 : memref<248x128xf32, #tpu.memory_space<vmem>>) dst(%dma_wait3A_408 : memref<248x128xf32, #tpu.memory_space<hbm>>)
    %add3A_409 = arith.constant 5456 : i32
    %add3A_410 = arith.addi %mul3A_2, %add3A_409 : i32
    %dma_start3A_411 = arith.constant 0 : i32
    %dma_start3A_412 = tpu.memref_slice %arg2[%add3A_410, %dma_start3A_411] : memref<262144x128xf32, #tpu.memory_space<hbm>> -> memref<248x128xf32, #tpu.memory_space<hbm>>
    %dma_start3A_413 = arith.constant 0 : i32
    %dma_start3A_414 = tpu.memref_slice %arg2[%add3A_410, %dma_start3A_413] : memref<262144x128xf32, #tpu.memory_space<hbm>> -> memref<248x128xf32, #tpu.memory_space<hbm>>
    tpu.enqueue_dma source(%dma_start3A_414 : memref<248x128xf32, #tpu.memory_space<hbm>>) target(%arg6 : memref<248x128xf32, #tpu.memory_space<vmem>>) target_semaphore(%arg10 : memref<!tpu.dma_semaphore, #tpu.memory_space<semaphore_mem>>)
    %dma_wait3A_415 = arith.constant 0 : i32
    %dma_wait3A_416 = tpu.memref_slice %arg2[%add3A_370, %dma_wait3A_415] : memref<262144x128xf32, #tpu.memory_space<hbm>> -> memref<248x128xf32, #tpu.memory_space<hbm>>
    %dma_wait3A_417 = arith.constant 0 : i32
    %dma_wait3A_418 = tpu.memref_slice %arg2[%add3A_370, %dma_wait3A_417] : memref<262144x128xf32, #tpu.memory_space<hbm>> -> memref<248x128xf32, #tpu.memory_space<hbm>>
    tpu.wait_dma2 semaphore(%arg8 : memref<!tpu.dma_semaphore, #tpu.memory_space<semaphore_mem>>) src(%dma_wait3A_418 : memref<248x128xf32, #tpu.memory_space<hbm>>) dst(%arg4 : memref<248x128xf32, #tpu.memory_space<vmem>>)
    %add3A_419 = arith.constant 4960 : i32
    %add3A_420 = arith.addi %mul3A_2, %add3A_419 : i32
    %dma_start3A_421 = arith.constant 0 : i32
    %dma_start3A_422 = tpu.memref_slice %arg3[%add3A_420, %dma_start3A_421] : memref<262144x128xf32, #tpu.memory_space<hbm>> -> memref<248x128xf32, #tpu.memory_space<hbm>>
    %dma_start3A_423 = arith.constant 0 : i32
    %dma_start3A_424 = tpu.memref_slice %arg3[%add3A_420, %dma_start3A_423] : memref<262144x128xf32, #tpu.memory_space<hbm>> -> memref<248x128xf32, #tpu.memory_space<hbm>>
    tpu.enqueue_dma source(%arg4 : memref<248x128xf32, #tpu.memory_space<vmem>>) target(%dma_start3A_424 : memref<248x128xf32, #tpu.memory_space<hbm>>) target_semaphore(%arg12 : memref<!tpu.dma_semaphore, #tpu.memory_space<semaphore_mem>>)
    %dma_wait3A_425 = arith.constant 0 : i32
    %dma_wait3A_426 = tpu.memref_slice %arg3[%add3A_400, %dma_wait3A_425] : memref<262144x128xf32, #tpu.memory_space<hbm>> -> memref<248x128xf32, #tpu.memory_space<hbm>>
    %dma_wait3A_427 = arith.constant 0 : i32
    %dma_wait3A_428 = tpu.memref_slice %arg3[%add3A_400, %dma_wait3A_427] : memref<262144x128xf32, #tpu.memory_space<hbm>> -> memref<248x128xf32, #tpu.memory_space<hbm>>
    tpu.wait_dma2 semaphore(%arg15 : memref<!tpu.dma_semaphore, #tpu.memory_space<semaphore_mem>>) src(%arg7 : memref<248x128xf32, #tpu.memory_space<vmem>>) dst(%dma_wait3A_428 : memref<248x128xf32, #tpu.memory_space<hbm>>)
    %add3A_429 = arith.constant 5704 : i32
    %add3A_430 = arith.addi %mul3A_2, %add3A_429 : i32
    %dma_start3A_431 = arith.constant 0 : i32
    %dma_start3A_432 = tpu.memref_slice %arg2[%add3A_430, %dma_start3A_431] : memref<262144x128xf32, #tpu.memory_space<hbm>> -> memref<248x128xf32, #tpu.memory_space<hbm>>
    %dma_start3A_433 = arith.constant 0 : i32
    %dma_start3A_434 = tpu.memref_slice %arg2[%add3A_430, %dma_start3A_433] : memref<262144x128xf32, #tpu.memory_space<hbm>> -> memref<248x128xf32, #tpu.memory_space<hbm>>
    tpu.enqueue_dma source(%dma_start3A_434 : memref<248x128xf32, #tpu.memory_space<hbm>>) target(%arg7 : memref<248x128xf32, #tpu.memory_space<vmem>>) target_semaphore(%arg11 : memref<!tpu.dma_semaphore, #tpu.memory_space<semaphore_mem>>)
    %dma_wait3A_435 = arith.constant 0 : i32
    %dma_wait3A_436 = tpu.memref_slice %arg2[%add3A_390, %dma_wait3A_435] : memref<262144x128xf32, #tpu.memory_space<hbm>> -> memref<248x128xf32, #tpu.memory_space<hbm>>
    %dma_wait3A_437 = arith.constant 0 : i32
    %dma_wait3A_438 = tpu.memref_slice %arg2[%add3A_390, %dma_wait3A_437] : memref<262144x128xf32, #tpu.memory_space<hbm>> -> memref<248x128xf32, #tpu.memory_space<hbm>>
    tpu.wait_dma2 semaphore(%arg9 : memref<!tpu.dma_semaphore, #tpu.memory_space<semaphore_mem>>) src(%dma_wait3A_438 : memref<248x128xf32, #tpu.memory_space<hbm>>) dst(%arg5 : memref<248x128xf32, #tpu.memory_space<vmem>>)
    %add3A_439 = arith.constant 5208 : i32
    %add3A_440 = arith.addi %mul3A_2, %add3A_439 : i32
    %dma_start3A_441 = arith.constant 0 : i32
    %dma_start3A_442 = tpu.memref_slice %arg3[%add3A_440, %dma_start3A_441] : memref<262144x128xf32, #tpu.memory_space<hbm>> -> memref<248x128xf32, #tpu.memory_space<hbm>>
    %dma_start3A_443 = arith.constant 0 : i32
    %dma_start3A_444 = tpu.memref_slice %arg3[%add3A_440, %dma_start3A_443] : memref<262144x128xf32, #tpu.memory_space<hbm>> -> memref<248x128xf32, #tpu.memory_space<hbm>>
    tpu.enqueue_dma source(%arg5 : memref<248x128xf32, #tpu.memory_space<vmem>>) target(%dma_start3A_444 : memref<248x128xf32, #tpu.memory_space<hbm>>) target_semaphore(%arg13 : memref<!tpu.dma_semaphore, #tpu.memory_space<semaphore_mem>>)
    %dma_wait3A_445 = arith.constant 0 : i32
    %dma_wait3A_446 = tpu.memref_slice %arg3[%add3A_420, %dma_wait3A_445] : memref<262144x128xf32, #tpu.memory_space<hbm>> -> memref<248x128xf32, #tpu.memory_space<hbm>>
    %dma_wait3A_447 = arith.constant 0 : i32
    %dma_wait3A_448 = tpu.memref_slice %arg3[%add3A_420, %dma_wait3A_447] : memref<262144x128xf32, #tpu.memory_space<hbm>> -> memref<248x128xf32, #tpu.memory_space<hbm>>
    tpu.wait_dma2 semaphore(%arg12 : memref<!tpu.dma_semaphore, #tpu.memory_space<semaphore_mem>>) src(%arg4 : memref<248x128xf32, #tpu.memory_space<vmem>>) dst(%dma_wait3A_448 : memref<248x128xf32, #tpu.memory_space<hbm>>)
    %add3A_449 = arith.constant 5952 : i32
    %add3A_450 = arith.addi %mul3A_2, %add3A_449 : i32
    %dma_start3A_451 = arith.constant 0 : i32
    %dma_start3A_452 = tpu.memref_slice %arg2[%add3A_450, %dma_start3A_451] : memref<262144x128xf32, #tpu.memory_space<hbm>> -> memref<248x128xf32, #tpu.memory_space<hbm>>
    %dma_start3A_453 = arith.constant 0 : i32
    %dma_start3A_454 = tpu.memref_slice %arg2[%add3A_450, %dma_start3A_453] : memref<262144x128xf32, #tpu.memory_space<hbm>> -> memref<248x128xf32, #tpu.memory_space<hbm>>
    tpu.enqueue_dma source(%dma_start3A_454 : memref<248x128xf32, #tpu.memory_space<hbm>>) target(%arg4 : memref<248x128xf32, #tpu.memory_space<vmem>>) target_semaphore(%arg8 : memref<!tpu.dma_semaphore, #tpu.memory_space<semaphore_mem>>)
    %dma_wait3A_455 = arith.constant 0 : i32
    %dma_wait3A_456 = tpu.memref_slice %arg2[%add3A_410, %dma_wait3A_455] : memref<262144x128xf32, #tpu.memory_space<hbm>> -> memref<248x128xf32, #tpu.memory_space<hbm>>
    %dma_wait3A_457 = arith.constant 0 : i32
    %dma_wait3A_458 = tpu.memref_slice %arg2[%add3A_410, %dma_wait3A_457] : memref<262144x128xf32, #tpu.memory_space<hbm>> -> memref<248x128xf32, #tpu.memory_space<hbm>>
    tpu.wait_dma2 semaphore(%arg10 : memref<!tpu.dma_semaphore, #tpu.memory_space<semaphore_mem>>) src(%dma_wait3A_458 : memref<248x128xf32, #tpu.memory_space<hbm>>) dst(%arg6 : memref<248x128xf32, #tpu.memory_space<vmem>>)
    %add3A_459 = arith.constant 5456 : i32
    %add3A_460 = arith.addi %mul3A_2, %add3A_459 : i32
    %dma_start3A_461 = arith.constant 0 : i32
    %dma_start3A_462 = tpu.memref_slice %arg3[%add3A_460, %dma_start3A_461] : memref<262144x128xf32, #tpu.memory_space<hbm>> -> memref<248x128xf32, #tpu.memory_space<hbm>>
    %dma_start3A_463 = arith.constant 0 : i32
    %dma_start3A_464 = tpu.memref_slice %arg3[%add3A_460, %dma_start3A_463] : memref<262144x128xf32, #tpu.memory_space<hbm>> -> memref<248x128xf32, #tpu.memory_space<hbm>>
    tpu.enqueue_dma source(%arg6 : memref<248x128xf32, #tpu.memory_space<vmem>>) target(%dma_start3A_464 : memref<248x128xf32, #tpu.memory_space<hbm>>) target_semaphore(%arg14 : memref<!tpu.dma_semaphore, #tpu.memory_space<semaphore_mem>>)
    %dma_wait3A_465 = arith.constant 0 : i32
    %dma_wait3A_466 = tpu.memref_slice %arg3[%add3A_440, %dma_wait3A_465] : memref<262144x128xf32, #tpu.memory_space<hbm>> -> memref<248x128xf32, #tpu.memory_space<hbm>>
    %dma_wait3A_467 = arith.constant 0 : i32
    %dma_wait3A_468 = tpu.memref_slice %arg3[%add3A_440, %dma_wait3A_467] : memref<262144x128xf32, #tpu.memory_space<hbm>> -> memref<248x128xf32, #tpu.memory_space<hbm>>
    tpu.wait_dma2 semaphore(%arg13 : memref<!tpu.dma_semaphore, #tpu.memory_space<semaphore_mem>>) src(%arg5 : memref<248x128xf32, #tpu.memory_space<vmem>>) dst(%dma_wait3A_468 : memref<248x128xf32, #tpu.memory_space<hbm>>)
    %add3A_469 = arith.constant 6200 : i32
    %add3A_470 = arith.addi %mul3A_2, %add3A_469 : i32
    %dma_start3A_471 = arith.constant 0 : i32
    %dma_start3A_472 = tpu.memref_slice %arg2[%add3A_470, %dma_start3A_471] : memref<262144x128xf32, #tpu.memory_space<hbm>> -> memref<248x128xf32, #tpu.memory_space<hbm>>
    %dma_start3A_473 = arith.constant 0 : i32
    %dma_start3A_474 = tpu.memref_slice %arg2[%add3A_470, %dma_start3A_473] : memref<262144x128xf32, #tpu.memory_space<hbm>> -> memref<248x128xf32, #tpu.memory_space<hbm>>
    tpu.enqueue_dma source(%dma_start3A_474 : memref<248x128xf32, #tpu.memory_space<hbm>>) target(%arg5 : memref<248x128xf32, #tpu.memory_space<vmem>>) target_semaphore(%arg9 : memref<!tpu.dma_semaphore, #tpu.memory_space<semaphore_mem>>)
    %dma_wait3A_475 = arith.constant 0 : i32
    %dma_wait3A_476 = tpu.memref_slice %arg2[%add3A_430, %dma_wait3A_475] : memref<262144x128xf32, #tpu.memory_space<hbm>> -> memref<248x128xf32, #tpu.memory_space<hbm>>
    %dma_wait3A_477 = arith.constant 0 : i32
    %dma_wait3A_478 = tpu.memref_slice %arg2[%add3A_430, %dma_wait3A_477] : memref<262144x128xf32, #tpu.memory_space<hbm>> -> memref<248x128xf32, #tpu.memory_space<hbm>>
    tpu.wait_dma2 semaphore(%arg11 : memref<!tpu.dma_semaphore, #tpu.memory_space<semaphore_mem>>) src(%dma_wait3A_478 : memref<248x128xf32, #tpu.memory_space<hbm>>) dst(%arg7 : memref<248x128xf32, #tpu.memory_space<vmem>>)
    %add3A_479 = arith.constant 5704 : i32
    %add3A_480 = arith.addi %mul3A_2, %add3A_479 : i32
    %dma_start3A_481 = arith.constant 0 : i32
    %dma_start3A_482 = tpu.memref_slice %arg3[%add3A_480, %dma_start3A_481] : memref<262144x128xf32, #tpu.memory_space<hbm>> -> memref<248x128xf32, #tpu.memory_space<hbm>>
    %dma_start3A_483 = arith.constant 0 : i32
    %dma_start3A_484 = tpu.memref_slice %arg3[%add3A_480, %dma_start3A_483] : memref<262144x128xf32, #tpu.memory_space<hbm>> -> memref<248x128xf32, #tpu.memory_space<hbm>>
    tpu.enqueue_dma source(%arg7 : memref<248x128xf32, #tpu.memory_space<vmem>>) target(%dma_start3A_484 : memref<248x128xf32, #tpu.memory_space<hbm>>) target_semaphore(%arg15 : memref<!tpu.dma_semaphore, #tpu.memory_space<semaphore_mem>>)
    %dma_wait3A_485 = arith.constant 0 : i32
    %dma_wait3A_486 = tpu.memref_slice %arg3[%add3A_460, %dma_wait3A_485] : memref<262144x128xf32, #tpu.memory_space<hbm>> -> memref<248x128xf32, #tpu.memory_space<hbm>>
    %dma_wait3A_487 = arith.constant 0 : i32
    %dma_wait3A_488 = tpu.memref_slice %arg3[%add3A_460, %dma_wait3A_487] : memref<262144x128xf32, #tpu.memory_space<hbm>> -> memref<248x128xf32, #tpu.memory_space<hbm>>
    tpu.wait_dma2 semaphore(%arg14 : memref<!tpu.dma_semaphore, #tpu.memory_space<semaphore_mem>>) src(%arg6 : memref<248x128xf32, #tpu.memory_space<vmem>>) dst(%dma_wait3A_488 : memref<248x128xf32, #tpu.memory_space<hbm>>)
    %add3A_489 = arith.constant 6448 : i32
    %add3A_490 = arith.addi %mul3A_2, %add3A_489 : i32
    %dma_start3A_491 = arith.constant 0 : i32
    %dma_start3A_492 = tpu.memref_slice %arg2[%add3A_490, %dma_start3A_491] : memref<262144x128xf32, #tpu.memory_space<hbm>> -> memref<248x128xf32, #tpu.memory_space<hbm>>
    %dma_start3A_493 = arith.constant 0 : i32
    %dma_start3A_494 = tpu.memref_slice %arg2[%add3A_490, %dma_start3A_493] : memref<262144x128xf32, #tpu.memory_space<hbm>> -> memref<248x128xf32, #tpu.memory_space<hbm>>
    tpu.enqueue_dma source(%dma_start3A_494 : memref<248x128xf32, #tpu.memory_space<hbm>>) target(%arg6 : memref<248x128xf32, #tpu.memory_space<vmem>>) target_semaphore(%arg10 : memref<!tpu.dma_semaphore, #tpu.memory_space<semaphore_mem>>)
    %dma_wait3A_495 = arith.constant 0 : i32
    %dma_wait3A_496 = tpu.memref_slice %arg2[%add3A_450, %dma_wait3A_495] : memref<262144x128xf32, #tpu.memory_space<hbm>> -> memref<248x128xf32, #tpu.memory_space<hbm>>
    %dma_wait3A_497 = arith.constant 0 : i32
    %dma_wait3A_498 = tpu.memref_slice %arg2[%add3A_450, %dma_wait3A_497] : memref<262144x128xf32, #tpu.memory_space<hbm>> -> memref<248x128xf32, #tpu.memory_space<hbm>>
    tpu.wait_dma2 semaphore(%arg8 : memref<!tpu.dma_semaphore, #tpu.memory_space<semaphore_mem>>) src(%dma_wait3A_498 : memref<248x128xf32, #tpu.memory_space<hbm>>) dst(%arg4 : memref<248x128xf32, #tpu.memory_space<vmem>>)
    %add3A_499 = arith.constant 5952 : i32
    %add3A_500 = arith.addi %mul3A_2, %add3A_499 : i32
    %dma_start3A_501 = arith.constant 0 : i32
    %dma_start3A_502 = tpu.memref_slice %arg3[%add3A_500, %dma_start3A_501] : memref<262144x128xf32, #tpu.memory_space<hbm>> -> memref<248x128xf32, #tpu.memory_space<hbm>>
    %dma_start3A_503 = arith.constant 0 : i32
    %dma_start3A_504 = tpu.memref_slice %arg3[%add3A_500, %dma_start3A_503] : memref<262144x128xf32, #tpu.memory_space<hbm>> -> memref<248x128xf32, #tpu.memory_space<hbm>>
    tpu.enqueue_dma source(%arg4 : memref<248x128xf32, #tpu.memory_space<vmem>>) target(%dma_start3A_504 : memref<248x128xf32, #tpu.memory_space<hbm>>) target_semaphore(%arg12 : memref<!tpu.dma_semaphore, #tpu.memory_space<semaphore_mem>>)
    %dma_wait3A_505 = arith.constant 0 : i32
    %dma_wait3A_506 = tpu.memref_slice %arg3[%add3A_480, %dma_wait3A_505] : memref<262144x128xf32, #tpu.memory_space<hbm>> -> memref<248x128xf32, #tpu.memory_space<hbm>>
    %dma_wait3A_507 = arith.constant 0 : i32
    %dma_wait3A_508 = tpu.memref_slice %arg3[%add3A_480, %dma_wait3A_507] : memref<262144x128xf32, #tpu.memory_space<hbm>> -> memref<248x128xf32, #tpu.memory_space<hbm>>
    tpu.wait_dma2 semaphore(%arg15 : memref<!tpu.dma_semaphore, #tpu.memory_space<semaphore_mem>>) src(%arg7 : memref<248x128xf32, #tpu.memory_space<vmem>>) dst(%dma_wait3A_508 : memref<248x128xf32, #tpu.memory_space<hbm>>)
    %add3A_509 = arith.constant 6696 : i32
    %add3A_510 = arith.addi %mul3A_2, %add3A_509 : i32
    %dma_start3A_511 = arith.constant 0 : i32
    %dma_start3A_512 = tpu.memref_slice %arg2[%add3A_510, %dma_start3A_511] : memref<262144x128xf32, #tpu.memory_space<hbm>> -> memref<248x128xf32, #tpu.memory_space<hbm>>
    %dma_start3A_513 = arith.constant 0 : i32
    %dma_start3A_514 = tpu.memref_slice %arg2[%add3A_510, %dma_start3A_513] : memref<262144x128xf32, #tpu.memory_space<hbm>> -> memref<248x128xf32, #tpu.memory_space<hbm>>
    tpu.enqueue_dma source(%dma_start3A_514 : memref<248x128xf32, #tpu.memory_space<hbm>>) target(%arg7 : memref<248x128xf32, #tpu.memory_space<vmem>>) target_semaphore(%arg11 : memref<!tpu.dma_semaphore, #tpu.memory_space<semaphore_mem>>)
    %dma_wait3A_515 = arith.constant 0 : i32
    %dma_wait3A_516 = tpu.memref_slice %arg2[%add3A_470, %dma_wait3A_515] : memref<262144x128xf32, #tpu.memory_space<hbm>> -> memref<248x128xf32, #tpu.memory_space<hbm>>
    %dma_wait3A_517 = arith.constant 0 : i32
    %dma_wait3A_518 = tpu.memref_slice %arg2[%add3A_470, %dma_wait3A_517] : memref<262144x128xf32, #tpu.memory_space<hbm>> -> memref<248x128xf32, #tpu.memory_space<hbm>>
    tpu.wait_dma2 semaphore(%arg9 : memref<!tpu.dma_semaphore, #tpu.memory_space<semaphore_mem>>) src(%dma_wait3A_518 : memref<248x128xf32, #tpu.memory_space<hbm>>) dst(%arg5 : memref<248x128xf32, #tpu.memory_space<vmem>>)
    %add3A_519 = arith.constant 6200 : i32
    %add3A_520 = arith.addi %mul3A_2, %add3A_519 : i32
    %dma_start3A_521 = arith.constant 0 : i32
    %dma_start3A_522 = tpu.memref_slice %arg3[%add3A_520, %dma_start3A_521] : memref<262144x128xf32, #tpu.memory_space<hbm>> -> memref<248x128xf32, #tpu.memory_space<hbm>>
    %dma_start3A_523 = arith.constant 0 : i32
    %dma_start3A_524 = tpu.memref_slice %arg3[%add3A_520, %dma_start3A_523] : memref<262144x128xf32, #tpu.memory_space<hbm>> -> memref<248x128xf32, #tpu.memory_space<hbm>>
    tpu.enqueue_dma source(%arg5 : memref<248x128xf32, #tpu.memory_space<vmem>>) target(%dma_start3A_524 : memref<248x128xf32, #tpu.memory_space<hbm>>) target_semaphore(%arg13 : memref<!tpu.dma_semaphore, #tpu.memory_space<semaphore_mem>>)
    %dma_wait3A_525 = arith.constant 0 : i32
    %dma_wait3A_526 = tpu.memref_slice %arg3[%add3A_500, %dma_wait3A_525] : memref<262144x128xf32, #tpu.memory_space<hbm>> -> memref<248x128xf32, #tpu.memory_space<hbm>>
    %dma_wait3A_527 = arith.constant 0 : i32
    %dma_wait3A_528 = tpu.memref_slice %arg3[%add3A_500, %dma_wait3A_527] : memref<262144x128xf32, #tpu.memory_space<hbm>> -> memref<248x128xf32, #tpu.memory_space<hbm>>
    tpu.wait_dma2 semaphore(%arg12 : memref<!tpu.dma_semaphore, #tpu.memory_space<semaphore_mem>>) src(%arg4 : memref<248x128xf32, #tpu.memory_space<vmem>>) dst(%dma_wait3A_528 : memref<248x128xf32, #tpu.memory_space<hbm>>)
    %add3A_529 = arith.constant 6944 : i32
    %add3A_530 = arith.addi %mul3A_2, %add3A_529 : i32
    %dma_start3A_531 = arith.constant 0 : i32
    %dma_start3A_532 = tpu.memref_slice %arg2[%add3A_530, %dma_start3A_531] : memref<262144x128xf32, #tpu.memory_space<hbm>> -> memref<248x128xf32, #tpu.memory_space<hbm>>
    %dma_start3A_533 = arith.constant 0 : i32
    %dma_start3A_534 = tpu.memref_slice %arg2[%add3A_530, %dma_start3A_533] : memref<262144x128xf32, #tpu.memory_space<hbm>> -> memref<248x128xf32, #tpu.memory_space<hbm>>
    tpu.enqueue_dma source(%dma_start3A_534 : memref<248x128xf32, #tpu.memory_space<hbm>>) target(%arg4 : memref<248x128xf32, #tpu.memory_space<vmem>>) target_semaphore(%arg8 : memref<!tpu.dma_semaphore, #tpu.memory_space<semaphore_mem>>)
    %dma_wait3A_535 = arith.constant 0 : i32
    %dma_wait3A_536 = tpu.memref_slice %arg2[%add3A_490, %dma_wait3A_535] : memref<262144x128xf32, #tpu.memory_space<hbm>> -> memref<248x128xf32, #tpu.memory_space<hbm>>
    %dma_wait3A_537 = arith.constant 0 : i32
    %dma_wait3A_538 = tpu.memref_slice %arg2[%add3A_490, %dma_wait3A_537] : memref<262144x128xf32, #tpu.memory_space<hbm>> -> memref<248x128xf32, #tpu.memory_space<hbm>>
    tpu.wait_dma2 semaphore(%arg10 : memref<!tpu.dma_semaphore, #tpu.memory_space<semaphore_mem>>) src(%dma_wait3A_538 : memref<248x128xf32, #tpu.memory_space<hbm>>) dst(%arg6 : memref<248x128xf32, #tpu.memory_space<vmem>>)
    %add3A_539 = arith.constant 6448 : i32
    %add3A_540 = arith.addi %mul3A_2, %add3A_539 : i32
    %dma_start3A_541 = arith.constant 0 : i32
    %dma_start3A_542 = tpu.memref_slice %arg3[%add3A_540, %dma_start3A_541] : memref<262144x128xf32, #tpu.memory_space<hbm>> -> memref<248x128xf32, #tpu.memory_space<hbm>>
    %dma_start3A_543 = arith.constant 0 : i32
    %dma_start3A_544 = tpu.memref_slice %arg3[%add3A_540, %dma_start3A_543] : memref<262144x128xf32, #tpu.memory_space<hbm>> -> memref<248x128xf32, #tpu.memory_space<hbm>>
    tpu.enqueue_dma source(%arg6 : memref<248x128xf32, #tpu.memory_space<vmem>>) target(%dma_start3A_544 : memref<248x128xf32, #tpu.memory_space<hbm>>) target_semaphore(%arg14 : memref<!tpu.dma_semaphore, #tpu.memory_space<semaphore_mem>>)
    %dma_wait3A_545 = arith.constant 0 : i32
    %dma_wait3A_546 = tpu.memref_slice %arg3[%add3A_520, %dma_wait3A_545] : memref<262144x128xf32, #tpu.memory_space<hbm>> -> memref<248x128xf32, #tpu.memory_space<hbm>>
    %dma_wait3A_547 = arith.constant 0 : i32
    %dma_wait3A_548 = tpu.memref_slice %arg3[%add3A_520, %dma_wait3A_547] : memref<262144x128xf32, #tpu.memory_space<hbm>> -> memref<248x128xf32, #tpu.memory_space<hbm>>
    tpu.wait_dma2 semaphore(%arg13 : memref<!tpu.dma_semaphore, #tpu.memory_space<semaphore_mem>>) src(%arg5 : memref<248x128xf32, #tpu.memory_space<vmem>>) dst(%dma_wait3A_548 : memref<248x128xf32, #tpu.memory_space<hbm>>)
    %add3A_549 = arith.constant 7192 : i32
    %add3A_550 = arith.addi %mul3A_2, %add3A_549 : i32
    %dma_start3A_551 = arith.constant 0 : i32
    %dma_start3A_552 = tpu.memref_slice %arg2[%add3A_550, %dma_start3A_551] : memref<262144x128xf32, #tpu.memory_space<hbm>> -> memref<248x128xf32, #tpu.memory_space<hbm>>
    %dma_start3A_553 = arith.constant 0 : i32
    %dma_start3A_554 = tpu.memref_slice %arg2[%add3A_550, %dma_start3A_553] : memref<262144x128xf32, #tpu.memory_space<hbm>> -> memref<248x128xf32, #tpu.memory_space<hbm>>
    tpu.enqueue_dma source(%dma_start3A_554 : memref<248x128xf32, #tpu.memory_space<hbm>>) target(%arg5 : memref<248x128xf32, #tpu.memory_space<vmem>>) target_semaphore(%arg9 : memref<!tpu.dma_semaphore, #tpu.memory_space<semaphore_mem>>)
    %dma_wait3A_555 = arith.constant 0 : i32
    %dma_wait3A_556 = tpu.memref_slice %arg2[%add3A_510, %dma_wait3A_555] : memref<262144x128xf32, #tpu.memory_space<hbm>> -> memref<248x128xf32, #tpu.memory_space<hbm>>
    %dma_wait3A_557 = arith.constant 0 : i32
    %dma_wait3A_558 = tpu.memref_slice %arg2[%add3A_510, %dma_wait3A_557] : memref<262144x128xf32, #tpu.memory_space<hbm>> -> memref<248x128xf32, #tpu.memory_space<hbm>>
    tpu.wait_dma2 semaphore(%arg11 : memref<!tpu.dma_semaphore, #tpu.memory_space<semaphore_mem>>) src(%dma_wait3A_558 : memref<248x128xf32, #tpu.memory_space<hbm>>) dst(%arg7 : memref<248x128xf32, #tpu.memory_space<vmem>>)
    %add3A_559 = arith.constant 6696 : i32
    %add3A_560 = arith.addi %mul3A_2, %add3A_559 : i32
    %dma_start3A_561 = arith.constant 0 : i32
    %dma_start3A_562 = tpu.memref_slice %arg3[%add3A_560, %dma_start3A_561] : memref<262144x128xf32, #tpu.memory_space<hbm>> -> memref<248x128xf32, #tpu.memory_space<hbm>>
    %dma_start3A_563 = arith.constant 0 : i32
    %dma_start3A_564 = tpu.memref_slice %arg3[%add3A_560, %dma_start3A_563] : memref<262144x128xf32, #tpu.memory_space<hbm>> -> memref<248x128xf32, #tpu.memory_space<hbm>>
    tpu.enqueue_dma source(%arg7 : memref<248x128xf32, #tpu.memory_space<vmem>>) target(%dma_start3A_564 : memref<248x128xf32, #tpu.memory_space<hbm>>) target_semaphore(%arg15 : memref<!tpu.dma_semaphore, #tpu.memory_space<semaphore_mem>>)
    %dma_wait3A_565 = arith.constant 0 : i32
    %dma_wait3A_566 = tpu.memref_slice %arg3[%add3A_540, %dma_wait3A_565] : memref<262144x128xf32, #tpu.memory_space<hbm>> -> memref<248x128xf32, #tpu.memory_space<hbm>>
    %dma_wait3A_567 = arith.constant 0 : i32
    %dma_wait3A_568 = tpu.memref_slice %arg3[%add3A_540, %dma_wait3A_567] : memref<262144x128xf32, #tpu.memory_space<hbm>> -> memref<248x128xf32, #tpu.memory_space<hbm>>
    tpu.wait_dma2 semaphore(%arg14 : memref<!tpu.dma_semaphore, #tpu.memory_space<semaphore_mem>>) src(%arg6 : memref<248x128xf32, #tpu.memory_space<vmem>>) dst(%dma_wait3A_568 : memref<248x128xf32, #tpu.memory_space<hbm>>)
    %add3A_569 = arith.constant 7440 : i32
    %add3A_570 = arith.addi %mul3A_2, %add3A_569 : i32
    %dma_start3A_571 = arith.constant 0 : i32
    %dma_start3A_572 = tpu.memref_slice %arg2[%add3A_570, %dma_start3A_571] : memref<262144x128xf32, #tpu.memory_space<hbm>> -> memref<248x128xf32, #tpu.memory_space<hbm>>
    %dma_start3A_573 = arith.constant 0 : i32
    %dma_start3A_574 = tpu.memref_slice %arg2[%add3A_570, %dma_start3A_573] : memref<262144x128xf32, #tpu.memory_space<hbm>> -> memref<248x128xf32, #tpu.memory_space<hbm>>
    tpu.enqueue_dma source(%dma_start3A_574 : memref<248x128xf32, #tpu.memory_space<hbm>>) target(%arg6 : memref<248x128xf32, #tpu.memory_space<vmem>>) target_semaphore(%arg10 : memref<!tpu.dma_semaphore, #tpu.memory_space<semaphore_mem>>)
    %dma_wait3A_575 = arith.constant 0 : i32
    %dma_wait3A_576 = tpu.memref_slice %arg2[%add3A_530, %dma_wait3A_575] : memref<262144x128xf32, #tpu.memory_space<hbm>> -> memref<248x128xf32, #tpu.memory_space<hbm>>
    %dma_wait3A_577 = arith.constant 0 : i32
    %dma_wait3A_578 = tpu.memref_slice %arg2[%add3A_530, %dma_wait3A_577] : memref<262144x128xf32, #tpu.memory_space<hbm>> -> memref<248x128xf32, #tpu.memory_space<hbm>>
    tpu.wait_dma2 semaphore(%arg8 : memref<!tpu.dma_semaphore, #tpu.memory_space<semaphore_mem>>) src(%dma_wait3A_578 : memref<248x128xf32, #tpu.memory_space<hbm>>) dst(%arg4 : memref<248x128xf32, #tpu.memory_space<vmem>>)
    %add3A_579 = arith.constant 6944 : i32
    %add3A_580 = arith.addi %mul3A_2, %add3A_579 : i32
    %dma_start3A_581 = arith.constant 0 : i32
    %dma_start3A_582 = tpu.memref_slice %arg3[%add3A_580, %dma_start3A_581] : memref<262144x128xf32, #tpu.memory_space<hbm>> -> memref<248x128xf32, #tpu.memory_space<hbm>>
    %dma_start3A_583 = arith.constant 0 : i32
    %dma_start3A_584 = tpu.memref_slice %arg3[%add3A_580, %dma_start3A_583] : memref<262144x128xf32, #tpu.memory_space<hbm>> -> memref<248x128xf32, #tpu.memory_space<hbm>>
    tpu.enqueue_dma source(%arg4 : memref<248x128xf32, #tpu.memory_space<vmem>>) target(%dma_start3A_584 : memref<248x128xf32, #tpu.memory_space<hbm>>) target_semaphore(%arg12 : memref<!tpu.dma_semaphore, #tpu.memory_space<semaphore_mem>>)
    %dma_wait3A_585 = arith.constant 0 : i32
    %dma_wait3A_586 = tpu.memref_slice %arg3[%add3A_560, %dma_wait3A_585] : memref<262144x128xf32, #tpu.memory_space<hbm>> -> memref<248x128xf32, #tpu.memory_space<hbm>>
    %dma_wait3A_587 = arith.constant 0 : i32
    %dma_wait3A_588 = tpu.memref_slice %arg3[%add3A_560, %dma_wait3A_587] : memref<262144x128xf32, #tpu.memory_space<hbm>> -> memref<248x128xf32, #tpu.memory_space<hbm>>
    tpu.wait_dma2 semaphore(%arg15 : memref<!tpu.dma_semaphore, #tpu.memory_space<semaphore_mem>>) src(%arg7 : memref<248x128xf32, #tpu.memory_space<vmem>>) dst(%dma_wait3A_588 : memref<248x128xf32, #tpu.memory_space<hbm>>)
    %add3A_589 = arith.constant 7688 : i32
    %add3A_590 = arith.addi %mul3A_2, %add3A_589 : i32
    %dma_start3A_591 = arith.constant 0 : i32
    %dma_start3A_592 = tpu.memref_slice %arg2[%add3A_590, %dma_start3A_591] : memref<262144x128xf32, #tpu.memory_space<hbm>> -> memref<248x128xf32, #tpu.memory_space<hbm>>
    %dma_start3A_593 = arith.constant 0 : i32
    %dma_start3A_594 = tpu.memref_slice %arg2[%add3A_590, %dma_start3A_593] : memref<262144x128xf32, #tpu.memory_space<hbm>> -> memref<248x128xf32, #tpu.memory_space<hbm>>
    tpu.enqueue_dma source(%dma_start3A_594 : memref<248x128xf32, #tpu.memory_space<hbm>>) target(%arg7 : memref<248x128xf32, #tpu.memory_space<vmem>>) target_semaphore(%arg11 : memref<!tpu.dma_semaphore, #tpu.memory_space<semaphore_mem>>)
    %dma_wait3A_595 = arith.constant 0 : i32
    %dma_wait3A_596 = tpu.memref_slice %arg2[%add3A_550, %dma_wait3A_595] : memref<262144x128xf32, #tpu.memory_space<hbm>> -> memref<248x128xf32, #tpu.memory_space<hbm>>
    %dma_wait3A_597 = arith.constant 0 : i32
    %dma_wait3A_598 = tpu.memref_slice %arg2[%add3A_550, %dma_wait3A_597] : memref<262144x128xf32, #tpu.memory_space<hbm>> -> memref<248x128xf32, #tpu.memory_space<hbm>>
    tpu.wait_dma2 semaphore(%arg9 : memref<!tpu.dma_semaphore, #tpu.memory_space<semaphore_mem>>) src(%dma_wait3A_598 : memref<248x128xf32, #tpu.memory_space<hbm>>) dst(%arg5 : memref<248x128xf32, #tpu.memory_space<vmem>>)
    %add3A_599 = arith.constant 7192 : i32
    %add3A_600 = arith.addi %mul3A_2, %add3A_599 : i32
    %dma_start3A_601 = arith.constant 0 : i32
    %dma_start3A_602 = tpu.memref_slice %arg3[%add3A_600, %dma_start3A_601] : memref<262144x128xf32, #tpu.memory_space<hbm>> -> memref<248x128xf32, #tpu.memory_space<hbm>>
    %dma_start3A_603 = arith.constant 0 : i32
    %dma_start3A_604 = tpu.memref_slice %arg3[%add3A_600, %dma_start3A_603] : memref<262144x128xf32, #tpu.memory_space<hbm>> -> memref<248x128xf32, #tpu.memory_space<hbm>>
    tpu.enqueue_dma source(%arg5 : memref<248x128xf32, #tpu.memory_space<vmem>>) target(%dma_start3A_604 : memref<248x128xf32, #tpu.memory_space<hbm>>) target_semaphore(%arg13 : memref<!tpu.dma_semaphore, #tpu.memory_space<semaphore_mem>>)
    %dma_wait3A_605 = arith.constant 0 : i32
    %dma_wait3A_606 = tpu.memref_slice %arg3[%add3A_580, %dma_wait3A_605] : memref<262144x128xf32, #tpu.memory_space<hbm>> -> memref<248x128xf32, #tpu.memory_space<hbm>>
    %dma_wait3A_607 = arith.constant 0 : i32
    %dma_wait3A_608 = tpu.memref_slice %arg3[%add3A_580, %dma_wait3A_607] : memref<262144x128xf32, #tpu.memory_space<hbm>> -> memref<248x128xf32, #tpu.memory_space<hbm>>
    tpu.wait_dma2 semaphore(%arg12 : memref<!tpu.dma_semaphore, #tpu.memory_space<semaphore_mem>>) src(%arg4 : memref<248x128xf32, #tpu.memory_space<vmem>>) dst(%dma_wait3A_608 : memref<248x128xf32, #tpu.memory_space<hbm>>)
    %add3A_609 = arith.constant 7936 : i32
    %add3A_610 = arith.addi %mul3A_2, %add3A_609 : i32
    %dma_start3A_611 = arith.constant 0 : i32
    %dma_start3A_612 = tpu.memref_slice %arg2[%add3A_610, %dma_start3A_611] : memref<262144x128xf32, #tpu.memory_space<hbm>> -> memref<248x128xf32, #tpu.memory_space<hbm>>
    %dma_start3A_613 = arith.constant 0 : i32
    %dma_start3A_614 = tpu.memref_slice %arg2[%add3A_610, %dma_start3A_613] : memref<262144x128xf32, #tpu.memory_space<hbm>> -> memref<248x128xf32, #tpu.memory_space<hbm>>
    tpu.enqueue_dma source(%dma_start3A_614 : memref<248x128xf32, #tpu.memory_space<hbm>>) target(%arg4 : memref<248x128xf32, #tpu.memory_space<vmem>>) target_semaphore(%arg8 : memref<!tpu.dma_semaphore, #tpu.memory_space<semaphore_mem>>)
    %dma_wait3A_615 = arith.constant 0 : i32
    %dma_wait3A_616 = tpu.memref_slice %arg2[%add3A_570, %dma_wait3A_615] : memref<262144x128xf32, #tpu.memory_space<hbm>> -> memref<248x128xf32, #tpu.memory_space<hbm>>
    %dma_wait3A_617 = arith.constant 0 : i32
    %dma_wait3A_618 = tpu.memref_slice %arg2[%add3A_570, %dma_wait3A_617] : memref<262144x128xf32, #tpu.memory_space<hbm>> -> memref<248x128xf32, #tpu.memory_space<hbm>>
    tpu.wait_dma2 semaphore(%arg10 : memref<!tpu.dma_semaphore, #tpu.memory_space<semaphore_mem>>) src(%dma_wait3A_618 : memref<248x128xf32, #tpu.memory_space<hbm>>) dst(%arg6 : memref<248x128xf32, #tpu.memory_space<vmem>>)
    %add3A_619 = arith.constant 7440 : i32
    %add3A_620 = arith.addi %mul3A_2, %add3A_619 : i32
    %dma_start3A_621 = arith.constant 0 : i32
    %dma_start3A_622 = tpu.memref_slice %arg3[%add3A_620, %dma_start3A_621] : memref<262144x128xf32, #tpu.memory_space<hbm>> -> memref<248x128xf32, #tpu.memory_space<hbm>>
    %dma_start3A_623 = arith.constant 0 : i32
    %dma_start3A_624 = tpu.memref_slice %arg3[%add3A_620, %dma_start3A_623] : memref<262144x128xf32, #tpu.memory_space<hbm>> -> memref<248x128xf32, #tpu.memory_space<hbm>>
    tpu.enqueue_dma source(%arg6 : memref<248x128xf32, #tpu.memory_space<vmem>>) target(%dma_start3A_624 : memref<248x128xf32, #tpu.memory_space<hbm>>) target_semaphore(%arg14 : memref<!tpu.dma_semaphore, #tpu.memory_space<semaphore_mem>>)
    %dma_wait3A_625 = arith.constant 0 : i32
    %dma_wait3A_626 = tpu.memref_slice %arg3[%add3A_600, %dma_wait3A_625] : memref<262144x128xf32, #tpu.memory_space<hbm>> -> memref<248x128xf32, #tpu.memory_space<hbm>>
    %dma_wait3A_627 = arith.constant 0 : i32
    %dma_wait3A_628 = tpu.memref_slice %arg3[%add3A_600, %dma_wait3A_627] : memref<262144x128xf32, #tpu.memory_space<hbm>> -> memref<248x128xf32, #tpu.memory_space<hbm>>
    tpu.wait_dma2 semaphore(%arg13 : memref<!tpu.dma_semaphore, #tpu.memory_space<semaphore_mem>>) src(%arg5 : memref<248x128xf32, #tpu.memory_space<vmem>>) dst(%dma_wait3A_628 : memref<248x128xf32, #tpu.memory_space<hbm>>)
    %add3A_629 = arith.constant 8184 : i32
    %add3A_630 = arith.addi %mul3A_2, %add3A_629 : i32
    %dma_start3A_631 = arith.constant 0 : i32
    %dma_start3A_632 = arith.constant 0 : i32
    %dma_start3A_633 = tpu.memref_slice %arg5[%dma_start3A_631, %dma_start3A_632] : memref<248x128xf32, #tpu.memory_space<vmem>> -> memref<8x128xf32, #tpu.memory_space<vmem>>
    %dma_start3A_634 = arith.constant 0 : i32
    %dma_start3A_635 = tpu.memref_slice %arg2[%add3A_630, %dma_start3A_634] : memref<262144x128xf32, #tpu.memory_space<hbm>> -> memref<8x128xf32, #tpu.memory_space<hbm>>
    %dma_start3A_636 = arith.constant 0 : i32
    %dma_start3A_637 = arith.constant 0 : i32
    %dma_start3A_638 = tpu.memref_slice %arg5[%dma_start3A_636, %dma_start3A_637] : memref<248x128xf32, #tpu.memory_space<vmem>> -> memref<8x128xf32, #tpu.memory_space<vmem>>
    %dma_start3A_639 = arith.constant 0 : i32
    %dma_start3A_640 = tpu.memref_slice %arg2[%add3A_630, %dma_start3A_639] : memref<262144x128xf32, #tpu.memory_space<hbm>> -> memref<8x128xf32, #tpu.memory_space<hbm>>
    tpu.enqueue_dma source(%dma_start3A_640 : memref<8x128xf32, #tpu.memory_space<hbm>>) target(%dma_start3A_638 : memref<8x128xf32, #tpu.memory_space<vmem>>) target_semaphore(%arg9 : memref<!tpu.dma_semaphore, #tpu.memory_space<semaphore_mem>>)
    %dma_wait3A_641 = arith.constant 0 : i32
    %dma_wait3A_642 = tpu.memref_slice %arg2[%add3A_590, %dma_wait3A_641] : memref<262144x128xf32, #tpu.memory_space<hbm>> -> memref<248x128xf32, #tpu.memory_space<hbm>>
    %dma_wait3A_643 = arith.constant 0 : i32
    %dma_wait3A_644 = tpu.memref_slice %arg2[%add3A_590, %dma_wait3A_643] : memref<262144x128xf32, #tpu.memory_space<hbm>> -> memref<248x128xf32, #tpu.memory_space<hbm>>
    tpu.wait_dma2 semaphore(%arg11 : memref<!tpu.dma_semaphore, #tpu.memory_space<semaphore_mem>>) src(%dma_wait3A_644 : memref<248x128xf32, #tpu.memory_space<hbm>>) dst(%arg7 : memref<248x128xf32, #tpu.memory_space<vmem>>)
    %add3A_645 = arith.constant 7688 : i32
    %add3A_646 = arith.addi %mul3A_2, %add3A_645 : i32
    %dma_start3A_647 = arith.constant 0 : i32
    %dma_start3A_648 = tpu.memref_slice %arg3[%add3A_646, %dma_start3A_647] : memref<262144x128xf32, #tpu.memory_space<hbm>> -> memref<248x128xf32, #tpu.memory_space<hbm>>
    %dma_start3A_649 = arith.constant 0 : i32
    %dma_start3A_650 = tpu.memref_slice %arg3[%add3A_646, %dma_start3A_649] : memref<262144x128xf32, #tpu.memory_space<hbm>> -> memref<248x128xf32, #tpu.memory_space<hbm>>
    tpu.enqueue_dma source(%arg7 : memref<248x128xf32, #tpu.memory_space<vmem>>) target(%dma_start3A_650 : memref<248x128xf32, #tpu.memory_space<hbm>>) target_semaphore(%arg15 : memref<!tpu.dma_semaphore, #tpu.memory_space<semaphore_mem>>)
    %dma_wait3A_651 = arith.constant 0 : i32
    %dma_wait3A_652 = tpu.memref_slice %arg2[%add3A_610, %dma_wait3A_651] : memref<262144x128xf32, #tpu.memory_space<hbm>> -> memref<248x128xf32, #tpu.memory_space<hbm>>
    %dma_wait3A_653 = arith.constant 0 : i32
    %dma_wait3A_654 = tpu.memref_slice %arg2[%add3A_610, %dma_wait3A_653] : memref<262144x128xf32, #tpu.memory_space<hbm>> -> memref<248x128xf32, #tpu.memory_space<hbm>>
    tpu.wait_dma2 semaphore(%arg8 : memref<!tpu.dma_semaphore, #tpu.memory_space<semaphore_mem>>) src(%dma_wait3A_654 : memref<248x128xf32, #tpu.memory_space<hbm>>) dst(%arg4 : memref<248x128xf32, #tpu.memory_space<vmem>>)
    %add3A_655 = arith.constant 7936 : i32
    %add3A_656 = arith.addi %mul3A_2, %add3A_655 : i32
    %dma_start3A_657 = arith.constant 0 : i32
    %dma_start3A_658 = tpu.memref_slice %arg3[%add3A_656, %dma_start3A_657] : memref<262144x128xf32, #tpu.memory_space<hbm>> -> memref<248x128xf32, #tpu.memory_space<hbm>>
    %dma_start3A_659 = arith.constant 0 : i32
    %dma_start3A_660 = tpu.memref_slice %arg3[%add3A_656, %dma_start3A_659] : memref<262144x128xf32, #tpu.memory_space<hbm>> -> memref<248x128xf32, #tpu.memory_space<hbm>>
    tpu.enqueue_dma source(%arg4 : memref<248x128xf32, #tpu.memory_space<vmem>>) target(%dma_start3A_660 : memref<248x128xf32, #tpu.memory_space<hbm>>) target_semaphore(%arg12 : memref<!tpu.dma_semaphore, #tpu.memory_space<semaphore_mem>>)
    %dma_wait3A_661 = arith.constant 0 : i32
    %dma_wait3A_662 = arith.constant 0 : i32
    %dma_wait3A_663 = tpu.memref_slice %arg5[%dma_wait3A_661, %dma_wait3A_662] : memref<248x128xf32, #tpu.memory_space<vmem>> -> memref<8x128xf32, #tpu.memory_space<vmem>>
    %dma_wait3A_664 = arith.constant 0 : i32
    %dma_wait3A_665 = tpu.memref_slice %arg2[%add3A_630, %dma_wait3A_664] : memref<262144x128xf32, #tpu.memory_space<hbm>> -> memref<8x128xf32, #tpu.memory_space<hbm>>
    %dma_wait3A_666 = arith.constant 0 : i32
    %dma_wait3A_667 = arith.constant 0 : i32
    %dma_wait3A_668 = tpu.memref_slice %arg5[%dma_wait3A_666, %dma_wait3A_667] : memref<248x128xf32, #tpu.memory_space<vmem>> -> memref<8x128xf32, #tpu.memory_space<vmem>>
    %dma_wait3A_669 = arith.constant 0 : i32
    %dma_wait3A_670 = tpu.memref_slice %arg2[%add3A_630, %dma_wait3A_669] : memref<262144x128xf32, #tpu.memory_space<hbm>> -> memref<8x128xf32, #tpu.memory_space<hbm>>
    tpu.wait_dma2 semaphore(%arg9 : memref<!tpu.dma_semaphore, #tpu.memory_space<semaphore_mem>>) src(%dma_wait3A_670 : memref<8x128xf32, #tpu.memory_space<hbm>>) dst(%dma_wait3A_668 : memref<8x128xf32, #tpu.memory_space<vmem>>)
    %add3A_671 = arith.constant 8184 : i32
    %add3A_672 = arith.addi %mul3A_2, %add3A_671 : i32
    %dma_start3A_673 = arith.constant 0 : i32
    %dma_start3A_674 = arith.constant 0 : i32
    %dma_start3A_675 = tpu.memref_slice %arg5[%dma_start3A_673, %dma_start3A_674] : memref<248x128xf32, #tpu.memory_space<vmem>> -> memref<8x128xf32, #tpu.memory_space<vmem>>
    %dma_start3A_676 = arith.constant 0 : i32
    %dma_start3A_677 = tpu.memref_slice %arg3[%add3A_672, %dma_start3A_676] : memref<262144x128xf32, #tpu.memory_space<hbm>> -> memref<8x128xf32, #tpu.memory_space<hbm>>
    %dma_start3A_678 = arith.constant 0 : i32
    %dma_start3A_679 = tpu.memref_slice %arg3[%add3A_672, %dma_start3A_678] : memref<262144x128xf32, #tpu.memory_space<hbm>> -> memref<8x128xf32, #tpu.memory_space<hbm>>
    %dma_start3A_680 = arith.constant 0 : i32
    %dma_start3A_681 = arith.constant 0 : i32
    %dma_start3A_682 = tpu.memref_slice %arg5[%dma_start3A_680, %dma_start3A_681] : memref<248x128xf32, #tpu.memory_space<vmem>> -> memref<8x128xf32, #tpu.memory_space<vmem>>
    tpu.enqueue_dma source(%dma_start3A_682 : memref<8x128xf32, #tpu.memory_space<vmem>>) target(%dma_start3A_679 : memref<8x128xf32, #tpu.memory_space<hbm>>) target_semaphore(%arg13 : memref<!tpu.dma_semaphore, #tpu.memory_space<semaphore_mem>>)
    %dma_wait3A_683 = arith.constant 0 : i32
    %dma_wait3A_684 = tpu.memref_slice %arg3[%add3A_620, %dma_wait3A_683] : memref<262144x128xf32, #tpu.memory_space<hbm>> -> memref<248x128xf32, #tpu.memory_space<hbm>>
    %dma_wait3A_685 = arith.constant 0 : i32
    %dma_wait3A_686 = tpu.memref_slice %arg3[%add3A_620, %dma_wait3A_685] : memref<262144x128xf32, #tpu.memory_space<hbm>> -> memref<248x128xf32, #tpu.memory_space<hbm>>
    tpu.wait_dma2 semaphore(%arg14 : memref<!tpu.dma_semaphore, #tpu.memory_space<semaphore_mem>>) src(%arg6 : memref<248x128xf32, #tpu.memory_space<vmem>>) dst(%dma_wait3A_686 : memref<248x128xf32, #tpu.memory_space<hbm>>)
    %dma_wait3A_687 = arith.constant 0 : i32
    %dma_wait3A_688 = tpu.memref_slice %arg3[%add3A_646, %dma_wait3A_687] : memref<262144x128xf32, #tpu.memory_space<hbm>> -> memref<248x128xf32, #tpu.memory_space<hbm>>
    %dma_wait3A_689 = arith.constant 0 : i32
    %dma_wait3A_690 = tpu.memref_slice %arg3[%add3A_646, %dma_wait3A_689] : memref<262144x128xf32, #tpu.memory_space<hbm>> -> memref<248x128xf32, #tpu.memory_space<hbm>>
    tpu.wait_dma2 semaphore(%arg15 : memref<!tpu.dma_semaphore, #tpu.memory_space<semaphore_mem>>) src(%arg7 : memref<248x128xf32, #tpu.memory_space<vmem>>) dst(%dma_wait3A_690 : memref<248x128xf32, #tpu.memory_space<hbm>>)
    %dma_wait3A_691 = arith.constant 0 : i32
    %dma_wait3A_692 = tpu.memref_slice %arg3[%add3A_656, %dma_wait3A_691] : memref<262144x128xf32, #tpu.memory_space<hbm>> -> memref<248x128xf32, #tpu.memory_space<hbm>>
    %dma_wait3A_693 = arith.constant 0 : i32
    %dma_wait3A_694 = tpu.memref_slice %arg3[%add3A_656, %dma_wait3A_693] : memref<262144x128xf32, #tpu.memory_space<hbm>> -> memref<248x128xf32, #tpu.memory_space<hbm>>
    tpu.wait_dma2 semaphore(%arg12 : memref<!tpu.dma_semaphore, #tpu.memory_space<semaphore_mem>>) src(%arg4 : memref<248x128xf32, #tpu.memory_space<vmem>>) dst(%dma_wait3A_694 : memref<248x128xf32, #tpu.memory_space<hbm>>)
    %dma_wait3A_695 = arith.constant 0 : i32
    %dma_wait3A_696 = arith.constant 0 : i32
    %dma_wait3A_697 = tpu.memref_slice %arg5[%dma_wait3A_695, %dma_wait3A_696] : memref<248x128xf32, #tpu.memory_space<vmem>> -> memref<8x128xf32, #tpu.memory_space<vmem>>
    %dma_wait3A_698 = arith.constant 0 : i32
    %dma_wait3A_699 = tpu.memref_slice %arg3[%add3A_672, %dma_wait3A_698] : memref<262144x128xf32, #tpu.memory_space<hbm>> -> memref<8x128xf32, #tpu.memory_space<hbm>>
    %dma_wait3A_700 = arith.constant 0 : i32
    %dma_wait3A_701 = tpu.memref_slice %arg3[%add3A_672, %dma_wait3A_700] : memref<262144x128xf32, #tpu.memory_space<hbm>> -> memref<8x128xf32, #tpu.memory_space<hbm>>
    %dma_wait3A_702 = arith.constant 0 : i32
    %dma_wait3A_703 = arith.constant 0 : i32
    %dma_wait3A_704 = tpu.memref_slice %arg5[%dma_wait3A_702, %dma_wait3A_703] : memref<248x128xf32, #tpu.memory_space<vmem>> -> memref<8x128xf32, #tpu.memory_space<vmem>>
    tpu.wait_dma2 semaphore(%arg13 : memref<!tpu.dma_semaphore, #tpu.memory_space<semaphore_mem>>) src(%dma_wait3A_704 : memref<8x128xf32, #tpu.memory_space<vmem>>) dst(%dma_wait3A_701 : memref<8x128xf32, #tpu.memory_space<hbm>>)
    return
  }
}

module attributes {stable_mosaic.version = 14 : i64} {
  func.func @_copy_body(%arg0: i32, %arg1: i32, %arg2: memref<1x8x2048x128xf32, #tpu.memory_space<vmem>>, %arg3: memref<1x8x2048x128xf32, #tpu.memory_space<vmem>>) attributes {dimension_semantics = [#tpu.dimension_semantics<arbitrary>, #tpu.dimension_semantics<arbitrary>], iteration_bounds = array<i64: 4, 4>, scalar_prefetch = 0 : i64, scratch_operands = 0 : i64, tpu.core_type = #tpu.core_type<tc>, window_params = [{transform_indices = @transform_0, window_bounds = array<i64: 1, 8, 2048, 128>}, {transform_indices = @transform_1, window_bounds = array<i64: 1, 8, 2048, 128>}]} {
    %get3A = arith.constant 0 : index
    %get3A_0 = arith.constant 0 : index
    %get3A_1 = arith.constant 0 : index
    %get3A_2 = arith.constant 0 : index
    %get3A_3 = vector.load %arg2[%get3A, %get3A_0, %get3A_1, %get3A_2] : memref<1x8x2048x128xf32, #tpu.memory_space<vmem>>, vector<1x8x2048x128xf32>
    %swap3A = arith.constant 0 : index
    %swap3A_4 = arith.constant 0 : index
    %swap3A_5 = arith.constant 0 : index
    %swap3A_6 = arith.constant 0 : index
    %swap3A_7 = vector.load %arg3[%swap3A, %swap3A_4, %swap3A_5, %swap3A_6] : memref<1x8x2048x128xf32, #tpu.memory_space<vmem>>, vector<1x8x2048x128xf32>
    tpu.vector_store %arg3[%swap3A, %swap3A_4, %swap3A_5, %swap3A_6], %get3A_3 {strides = array<i32>} : memref<1x8x2048x128xf32, #tpu.memory_space<vmem>>, vector<1x8x2048x128xf32>,
    return
  }
  func.func @transform_0(%arg0: i32, %arg1: i32) -> (i32, i32, i32, i32) {
    %c0_i32 = arith.constant 0 : i32
    %c0_i32_0 = arith.constant 0 : i32
    %c0_i32_1 = arith.constant 0 : i32
    return %arg0, %arg1, %c0_i32, %c0_i32_0 : i32, i32, i32, i32
  }
  func.func @transform_1(%arg0: i32, %arg1: i32) -> (i32, i32, i32, i32) {
    %c0_i32 = arith.constant 0 : i32
    %c0_i32_0 = arith.constant 0 : i32
    %c0_i32_1 = arith.constant 0 : i32
    return %arg0, %arg1, %c0_i32, %c0_i32_0 : i32, i32, i32, i32
  }
}

</mosaic_0001>

<sc_bundles>
// kernel: kernel.4.cloned.1.call-start
scs
__scs_entry_jumppad:
0x0: {  	(pc) =	sbr.rel $0x88, $3  }
0x1: {  	(tag) =	ssettag $0x0;
	lr =	simm.s32 $0x1  }
0x2: {  	[smem:$0x3F9F] =	sst lr;
	_ =	strace $0xD0000000  }
0x3: {  	_ = 	snop  }
0x4: {  	_ = 	snop  }
0x5: {  	_ = 	snop  }
0x6: {  	_ = 	snop  }
0x7: {  	_ = 	snop  }
__scs_overlays_trampoline_lowered:
0x8: {  	[smem:$0x3FAE] =	sst s0  }
0x9: {  	[smem:$0x3FAF] =	sst s1  }
0xa: {  	[smem:$0x3FB0] =	sst s2  }
0xb: {  	[smem:$0x3FB1] =	sst s3  }
0xc: {  	[smem:$0x3FB2] =	sst s4  }
0xd: {  	[smem:$0x3FB3] =	sst s5  }
0xe: {  	[smem:$0x3FB4] =	sst s6  }
0xf: {  	[smem:$0x3FB5] =	sst s7  }
0x10: {  	[smem:$0x3FB6] =	sst s8  }
0x11: {  	[smem:$0x3FB7] =	sst s9;
	s0 =	simm.s32 @!p0 $0x0  }
0x12: {  	s1 =	sld [smem:$0x3F9D];
	s0 =	simm.s32 @p0 $0x1  }
0x13: {  	[smem:$0x3FB8] =	sst s0;
	s0 =	simm.s32 @!p1 $0x0  }
0x14: {  	s2 =	sld [smem:$0x3F9C];
	s0 =	simm.s32 @p1 $0x1  }
0x15: {  	[smem:$0x3FB9] =	sst s0;
	s0 =	simm.s32 @!p2 $0x0  }
0x16: {  	s3 =	sld [smem:$0x3FDB];
	s0 =	simm.s32 @p2 $0x1  }
0x17: {  	s4 =	simm.s32 $0x1BF5;
	[smem:$0x3FBB] =	sst s0  }
0x18: {  	s0 =	sld [smem:$0x3F9E];
	_ =	swait.ge [sflag:s4], $0x0  }
0x19: {  	s7 =	sld [smem:$0x3F9F]  }
0x1a: {  	s8 =	sadd.s32 $0xFFFFE003, lr  }
0x1b: {  	s9 =	sadd.s32 $0xFFFFFEF7, lr;
	s5 =	simm.s32 $0xFFFFFFFF;
	p2 =	slt.u32 s8, $0xFFFFF086  }
0x1c: {  	p1 =	slt.u32 s9, $0xF7A;
	s5 =	simm.s32 @!p2 $0x0  }
0x1d: {  	s5 =	simm.s32 @p1 $0x1;
	p0 =	seq.s32 s7, s2  }
0x1e: {  	s7 =	smul.u32 @!p0 $0xF7A, s2;
	p2 =	seq.s32 @!p0 s5, $0x0  }
0x1f: {  	s9 =	smul.u32 $0xF7A, s1;
	s8 =	simm.s32 @!p0 $0x1BF5;
	p2 =	por !p2, p0  }
0x20: {  	[sflag:s8] =	ssyncset.s32 @!p0 $0xFFFFF086;
	s6 =	sadd.s32 @!p0 s3, s7;
	s7 =	simm.s32 @!p0 $0x108  }
0x21: {  	s3 =	sadd.s32 s3, s9;
	s6 =	sadd.s32 @!p0 $0x88, s6;
	s7 =	simm.s32 @p2 $0x1082  }
0x22: {  	[simem:s7], [sflag:s8] =	dma.local @!p0 [hbm:s6], $0xF7A  }
0x23: {  	s9 =	sor.u32 $0xD0000000, s2;
	s6 =	simm.s32 $0x108;
	_ =	swait.ge @!p0 [sflag:s8], $0x0  }
0x24: {  	s3 =	sadd.s32 $0x88, s3;
	s6 =	simm.s32 @!p1 $0x1082;
	[sflag:s4] =	ssyncset.s32 $0xFFFFF086  }
0x25: {  	[simem:s6], [sflag:s4] =	dma.local [hbm:s3], $0xF7A  }
0x26: {  	[smem:$0x3F9F] =	sst s1;
	(tag) =	ssettag s2;
	_ =	strace s9  }
0x27: {  	s1 =	sld [smem:$0x3FAF]  }
0x28: {  	s2 =	sld [smem:$0x3FB0]  }
0x29: {  	s4 =	sld [smem:$0x3FB2]  }
0x2a: {  	p0 =	seq.s32 s5, $0x0;
	s5 =	sld [smem:$0x3FB3]  }
0x2b: {  	s6 =	sld [smem:$0x3FB4]  }
0x2c: {  	s7 =	sld [smem:$0x3FB5]  }
0x2d: {  	s3 =	simm.s32 $0x108;
	s8 =	sld [smem:$0x3FB6]  }
0x2e: {  	s3 =	simm.s32 @!p0 $0x1082;
	s9 =	sld [smem:$0x3FB7]  }
0x2f: {  	lr =	sadd.s32 s0, s3;
	s0 =	sld [smem:$0x3FAE]  }
0x30: {  	s3 =	sld [smem:$0x3FB1]  }
0x31: {  	[smem:$0x3FBA] =	sst s10  }
0x32: {  	s10 =	sld [smem:$0x3FB8];
	_ =	sdelay $0x3  }
0x33: {  	p0 =	seq.s32 s10, $0x1;
	s10 =	sld [smem:$0x3FBA];
	_ =	sdelay $0x3  }
0x34: {  	[smem:$0x3FBA] =	sst s10  }
0x35: {  	s10 =	sld [smem:$0x3FB9];
	_ =	sdelay $0x3  }
0x36: {  	p1 =	seq.s32 s10, $0x1;
	s10 =	sld [smem:$0x3FBA];
	_ =	sdelay $0x3  }
0x37: {  	[smem:$0x3FBA] =	sst s10  }
0x38: {  	s10 =	sld [smem:$0x3FBB]  }
0x39: {  	_ = 	snop;
	(pc) =	sbr.ind lr, $3  }
0x3a: {  	_ = 	snop  }
0x3b: {  	_ = 	snop  }
0x3c: {  	p2 =	seq.s32 s10, $0x1;
	s10 =	sld [smem:$0x3FBA]  }
0x3d: {  	_ =	shalt  }
0x3e: {  	_ =	shalt  }
0x3f: {  	_ =	shalt  }
0x40: {  	_ =	shalt  }
0x41: {  	_ =	shalt  }
0x42: {  	_ =	shalt  }
0x43: {  	_ =	shalt  }
0x44: {  	_ =	shalt  }
0x45: {  	_ =	shalt  }
0x46: {  	_ =	shalt  }
0x47: {  	_ =	shalt  }
0x48: {  	_ =	shalt  }
0x49: {  	_ =	shalt  }
0x4a: {  	_ =	shalt  }
0x4b: {  	_ =	shalt  }
0x4c: {  	_ =	shalt  }
0x4d: {  	_ =	shalt  }
0x4e: {  	_ =	shalt  }
0x4f: {  	_ =	shalt  }
0x50: {  	_ =	shalt  }
0x51: {  	_ =	shalt  }
0x52: {  	_ =	shalt  }
0x53: {  	_ =	shalt  }
0x54: {  	_ =	shalt  }
0x55: {  	_ =	shalt  }
0x56: {  	_ =	shalt  }
0x57: {  	_ =	shalt  }
0x58: {  	_ =	shalt  }
0x59: {  	_ =	shalt  }
0x5a: {  	_ =	shalt  }
0x5b: {  	_ =	shalt  }
0x5c: {  	_ =	shalt  }
0x5d: {  	_ =	shalt  }
0x5e: {  	_ =	shalt  }
0x5f: {  	_ =	shalt  }
0x60: {  	_ =	shalt  }
0x61: {  	_ =	shalt  }
0x62: {  	_ =	shalt  }
0x63: {  	_ =	shalt  }
0x64: {  	_ =	shalt  }
0x65: {  	_ =	shalt  }
0x66: {  	_ =	shalt  }
0x67: {  	_ =	shalt  }
0x68: {  	_ =	shalt  }
0x69: {  	_ =	shalt  }
0x6a: {  	_ =	shalt  }
0x6b: {  	_ =	shalt  }
0x6c: {  	_ =	shalt  }
0x6d: {  	_ =	shalt  }
0x6e: {  	_ =	shalt  }
0x6f: {  	_ =	shalt  }
0x70: {  	_ =	shalt  }
0x71: {  	_ =	shalt  }
0x72: {  	_ =	shalt  }
0x73: {  	_ =	shalt  }
0x74: {  	_ =	shalt  }
0x75: {  	_ =	shalt  }
0x76: {  	_ =	shalt  }
0x77: {  	_ =	shalt  }
0x78: {  	_ =	shalt  }
0x79: {  	_ =	shalt  }
0x7a: {  	_ =	shalt  }
0x7b: {  	_ =	shalt  }
0x7c: {  	_ =	shalt  }
0x7d: {  	_ =	shalt  }
0x7e: {  	_ =	shalt  }
0x7f: {  	_ =	shalt  }
0x80: {  	_ =	shalt  }
0x81: {  	_ =	shalt  }
0x82: {  	_ =	shalt  }
0x83: {  	_ =	shalt  }
0x84: {  	_ =	shalt  }
0x85: {  	_ =	shalt  }
0x86: {  	_ =	shalt  }
0x87: {  	_ =	shalt  }
.Lfunc_end0:
.L_simem_size_0:
called_computation_lowered:
.L_overlay_start_0:
0x88: {  	s2 =	sld [smem:$0x3FD9]  }
0x89: {  	s3 =	sld [smem:$0x3FFE];
	_ =	sdelay $0x1  }
0x8a: {  	s1 =	srdreg.scid  }
0x8b: {  	s0 =	sand.u32 $0x1, s1  }
0x8c: {  	s15 =	sshll.u32 s0, $0xA;
	s2 =	sadd.s32 s3, s2  }
0x8d: {  	s2 =	sadd.s32 s2, s15  }
0x8e: {  	[smem:$0x3FC6] =	sst s2  }
0x8f: {  	_ = 	snop  }
0x90: {  	s2 =	sld [smem:$0x3FD0];
	_ =	sdelay $0x2  }
0x91: {  	s4 =	simm.s32 $0xA;
	s5 =	simm.s32 $0x10;
	s16 =	sld [smem:$0x3FC8]  }
0x92: {  	[smem:s5], [sflag:s4] =	dma.local [hbm:s2], $0x1  }
0x93: {  	_ =	swait.eq [sflag:s4], $0x1  }
0x94: {  	[sflag:s4] =	ssyncset.done $0x0  }
0x95: {  	[sflag:s4] =	ssyncadd.s32 $0xFFFFFFFF  }
0x96: {  	s17 =	sld [smem:$0x11];
	(tm) =	ssettm $0x1  }
0x97: {  	s18 =	sld [smem:$0x3FFB];
	_ =	sdelay $0x3  }
0x98: {  	_ =	strace s18  }
0x99: {  	s4 =	sld [smem:$0x3FFC];
	_ =	sdelay $0x3  }
0x9a: {  	_ =	strace s4  }
0x9b: {  	s4 =	sld [smem:$0x3FFD];
	_ =	sdelay $0x3  }
0x9c: {  	_ =	strace s4  }
0x9d: {  	_ =	strace $0x8FFFFFFF  }
0x9e: {  	s19 =	sld [smem:$0x3FDB];
	_ =	sdelay $0x1  }
0x9f: {  	s20 =	simm.s32 $_scs_section_size  }
0xa0: {  	s6 =	simm.s32 $_size__tile_overlayer_lowered;
	s7 =	simm.s32 $_tile_overlayer_lowered  }
0xa1: {  	s23 =	simm.s32 $0x1BFF;
	s22 =	sshll.u32 s7, $0x1;
	s4 =	sadd.s32 s20, s19  }
0xa2: {  	s8 =	simm.s32 $0x0;
	s21 =	sshll.u32 s6, $0x1;
	s6 =	sadd.s32 s22, s4  }
0xa3: {  	[timem:s8], [sflag:s23] =	dma.local [hbm:s6], s21  }
0xa4: {  	_ =	swait.ge [sflag:s23], s21  }
0xa5: {  	s5 =	ssub.s32 $0x0, s21;
	[sflag:s23] =	ssyncset.done $0x0  }
0xa6: {  	[sflag:s23] =	ssyncadd.s32 s5;
	_ =	sdelay $0x1  }
0xa7: {  	s24 =	simm.s32 $0x1B8B  }
0xa8: {  	_ =	swait.ge [sflag:s24], $0x1  }
0xa9: {  	[sflag:s24] =	ssyncset.done $0x0  }
0xaa: {  	s25 =	simm.s32 $0x1B8E;
	[sflag:s24] =	ssyncadd.s32 $0xFFFFFFFF  }
0xab: {  	s26 =	simm.s32 $execute0_lowered;
	[smem:$0x3FD2] =	sst s25  }
0xac: {  	s5 =	sshll.u32 s26, $0x1;
	_ =	strace $0x80000046;
	[dreg:$0x1] =	wrdreg $0xFFFFFFFF  }
0xad: {  	s28 =	simm.s32 $_size_execute0_lowered;
	s4 =	sadd.s32 s4, s5;
	[dreg:$0x0] =	wrdreg $0x0  }
0xae: {  	s5 =	sshll.u32 s28, $0x1;
	[dreg:$0x2] =	wrdreg s4  }
0xaf: {  	[dreg:$0x3] =	wrdreg s5  }
0xb0: {  	[dreg:$0x4] =	wrdreg $0xC0  }
0xb1: {  	_ =	task [dreg:s8], $0x5FFFF  }
0xb2: {  	[dreg:$0x1] =	wrdreg $0xFFFFFFFF  }
0xb3: {  	[dreg:$0x0] =	wrdreg $0x60  }
0xb4: {  	[dreg:$0x2] =	wrdreg s16  }
0xb5: {  	[dreg:$0x3] =	wrdreg s17  }
0xb6: {  	[dreg:$0x4] =	wrdreg $0x9  }
0xb7: {  	_ =	task.clear_ibuf [dreg:s8], $0x5FFFF;
	_ =	strace $0x90000046  }
0xb8: {  	s29 =	simm.s32 $0x9;
	_ =	strace $0x80000048  }
0xb9: {  	_ =	swait.ge [sflag:s29], $0x1  }
0xba: {  	[sflag:s29] =	ssyncadd.s32 $0xFFFFFFFF  }
0xbb: {  	_ =	strace $0x90000048  }
0xbc: {  	_ =	sfence  }
0xbd: {  	s30 =	sld [smem:$0x0];
	_ =	sdelay $0x2  }
0xbe: {  	s31 =	sshll.u32 s1, $0xD;
	s1 =	sshrl.u32 s1, $0x2  }
0xbf: {  	s3 =	sand.u32 $0x4000, s31;
	s1 =	sadd.s32 s1, s30  }
0xc0: {  	s0 =	sor.u32 s3, s0;
	s1 =	sshll.u32 s1, $0x11  }
0xc1: {  	s0 =	sor.u32 s1, s0  }
0xc2: {  	s0 =	sadd.s32 $0x8F2B, s0  }
0xc3: {  	[sflag:s0] =	ssyncadd.remote.s32 $0x1  }
0xc4: {  	_ =	sfence.sel $0xFFFF  }
0xc5: {  	[dreg:$0x0] =	wrdreg $0xFFFFFFFF;
	(pc) =	sbr.abs _section_cstart, $3  }
0xc6: {  	[dreg:$0x1] =	wrdreg $0xFFFFFFFF  }
0xc7: {  	_ =	task.clear_ibuf [dreg:s8], $0x2FFFF;
	_ =	strace $0x9FFFFFFF  }
0xc8: {  	(tm) =	ssettm $0x7FFFFFFF  }
0xc9: {  	_ =	shalt  }
tec
execute0_lowered:
.L_overlay_start_1:
0x0: {  	(tag) =	ssettag $0x1  }
0x1: {  	s1 =	srdreg.scid  }
0x2: {  	s3 =	rddreg [dreg:$0x0];
	s4 =	stileid.u32;
	s5 =	sand.u32 $0x1, s1  }
0x3: {  	s2 =	simm.s32 $0x0;
	s9 =	sshll.u32 s4, $0x12;
	s10 =	sshll.u32 s5, $0x11  }
0x4: {  	[smem:$0x7FF] =	sst s2;
	s4 =	sor.u32 s10, s9  }
0x5: {  	s0 =	rddreg [dreg:$0x1];
	_ =	strace $0x80000047;
	s1 =	sadd.s32 s3, s4  }
0x6: {  	s6 =	sor.u32 $0xF80, s4;
	s13 =	sadd.s32 s0, s4;
	[dreg:$0x3] =	wrdreg s1  }
0x7: {  	s7 =	sor.u32 $0x1F00, s4;
	s11 =	sadd.s32 s3, s6;
	[dreg:$0x6] =	wrdreg s13  }
0x8: {  	s8 =	sor.u32 $0x2E80, s4;
	s12 =	sadd.s32 s3, s7;
	[dreg:$0x4] =	wrdreg s11  }
0x9: {  	s14 =	sadd.s32 s3, s8;
	[dreg:$0x5] =	wrdreg s12  }
0xa: {  	s16 =	sor.u32 $0x3E00, s4;
	s15 =	sadd.s32 s0, s6;
	[dreg:$0x7] =	wrdreg s14  }
0xb: {  	s17 =	sadd.s32 s3, s16;
	[dreg:$0x8] =	wrdreg s15  }
0xc: {  	s19 =	sor.u32 $0x4D80, s4;
	s18 =	sadd.s32 s0, s7;
	[dreg:$0x9] =	wrdreg s17  }
0xd: {  	s20 =	sadd.s32 s3, s19;
	[dreg:$0xa] =	wrdreg s18  }
0xe: {  	s22 =	sor.u32 $0x5D00, s4;
	s21 =	sadd.s32 s0, s8;
	[dreg:$0xb] =	wrdreg s20  }
0xf: {  	s23 =	sadd.s32 s3, s22;
	[dreg:$0xc] =	wrdreg s21  }
0x10: {  	s25 =	sor.u32 $0x6C80, s4;
	s24 =	sadd.s32 s0, s16;
	[dreg:$0xd] =	wrdreg s23  }
0x11: {  	s26 =	sadd.s32 s3, s25;
	[dreg:$0xe] =	wrdreg s24  }
0x12: {  	s9 =	sadd.s32 s0, s19;
	[dreg:$0xf] =	wrdreg s26  }
0x13: {  	s10 =	sor.u32 $0x7C00, s4;
	[dreg:$0x10] =	wrdreg s9  }
0x14: {  	s11 =	sadd.s32 s3, s10;
	s1 =	rddreg [dreg:$0x3]  }
0x15: {  	s13 =	sor.u32 $0x8B80, s4;
	s12 =	sadd.s32 s0, s22;
	[dreg:$0x11] =	wrdreg s11  }
0x16: {  	s14 =	sadd.s32 s3, s13;
	[dreg:$0x12] =	wrdreg s12  }
0x17: {  	s16 =	sor.u32 $0x9B00, s4;
	s15 =	sadd.s32 s0, s25;
	[dreg:$0x13] =	wrdreg s14  }
0x18: {  	s17 =	sadd.s32 s3, s16;
	[dreg:$0x14] =	wrdreg s15  }
0x19: {  	s19 =	sor.u32 $0xAA80, s4;
	s18 =	sadd.s32 s0, s10;
	[dreg:$0x15] =	wrdreg s17  }
0x1a: {  	s20 =	sadd.s32 s3, s19;
	[dreg:$0x16] =	wrdreg s18  }
0x1b: {  	s21 =	sadd.s32 s0, s13;
	[dreg:$0x17] =	wrdreg s20  }
0x1c: {  	s24 =	sadd.s32 s0, s16;
	[dreg:$0x18] =	wrdreg s21  }
0x1d: {  	s22 =	sor.u32 $0xBA00, s4;
	s9 =	sadd.s32 s0, s19;
	[dreg:$0x1a] =	wrdreg s24  }
0x1e: {  	s25 =	sor.u32 $0xC980, s4;
	s23 =	sadd.s32 s3, s22;
	[dreg:$0x1c] =	wrdreg s9  }
0x1f: {  	s10 =	sor.u32 $0xD900, s4;
	s26 =	sadd.s32 s3, s25;
	[dreg:$0x19] =	wrdreg s23  }
0x20: {  	s11 =	sadd.s32 s3, s10;
	[dreg:$0x1b] =	wrdreg s26  }
0x21: {  	s13 =	sor.u32 $0xE880, s4;
	s12 =	sadd.s32 s0, s22;
	[dreg:$0x1d] =	wrdreg s11  }
0x22: {  	s14 =	sadd.s32 s3, s13;
	[dreg:$0x1e] =	wrdreg s12  }
0x23: {  	s16 =	sor.u32 $0xF800, s4;
	s15 =	sadd.s32 s0, s25;
	[dreg:$0x1f] =	wrdreg s14  }
0x24: {  	p0 =	por $0x0, $0x0;
	s17 =	sadd.s32 s3, s16;
	[smem:$0x7E8] =	sst s15  }
0x25: {  	s19 =	sor.u32 $0x10780, s4;
	s18 =	sadd.s32 s0, s10;
	[smem:$0x7E9] =	sst s17  }
0x26: {  	s5 =	ssub.s32 $0x2, s5;
	s20 =	sadd.s32 s3, s19;
	[smem:$0x7EA] =	sst s18  }
0x27: {  	s6 =	simm.s32 $0x7C00;
	s21 =	sadd.s32 s0, s13;
	[smem:$0x7EB] =	sst s20  }
0x28: {  	s22 =	sor.u32 $0x11700, s4;
	s24 =	sadd.s32 s0, s16;
	[smem:$0x7EC] =	sst s21  }
0x29: {  	s25 =	sor.u32 $0x12680, s4;
	s9 =	sadd.s32 s0, s19;
	[smem:$0x7EE] =	sst s24  }
0x2a: {  	s10 =	sor.u32 $0x13600, s4;
	s23 =	sadd.s32 s3, s22;
	[smem:$0x7F0] =	sst s9  }
0x2b: {  	s13 =	sor.u32 $0x14580, s4;
	s26 =	sadd.s32 s3, s25;
	[smem:$0x7ED] =	sst s23  }
0x2c: {  	s16 =	sor.u32 $0x15500, s4;
	s11 =	sadd.s32 s3, s10;
	[smem:$0x7EF] =	sst s26  }
0x2d: {  	s19 =	sor.u32 $0x16480, s4;
	s12 =	sadd.s32 s0, s22;
	[smem:$0x7F1] =	sst s11  }
0x2e: {  	s14 =	sadd.s32 s3, s13;
	s15 =	sadd.s32 s0, s25;
	[smem:$0x7F2] =	sst s12  }
0x2f: {  	s17 =	sadd.s32 s3, s16;
	s18 =	sadd.s32 s0, s10;
	[smem:$0x7F3] =	sst s14  }
0x30: {  	s20 =	sadd.s32 s3, s19;
	s21 =	sadd.s32 s0, s13;
	[smem:$0x7F4] =	sst s15  }
0x31: {  	s22 =	sor.u32 $0x17400, s4;
	s24 =	sadd.s32 s0, s16;
	[smem:$0x7F5] =	sst s17  }
0x32: {  	s25 =	sor.u32 $0x18380, s4;
	s7 =	sadd.s32 s0, s19;
	[smem:$0x7F6] =	sst s18  }
0x33: {  	s10 =	sor.u32 $0x19300, s4;
	s9 =	sshrl.u32 s5, $0x1;
	[smem:$0x7F7] =	sst s20  }
0x34: {  	s13 =	sor.u32 $0x1B200, s4;
	s19 =	sor.u32 $0x1E080, s4;
	[smem:$0x7F8] =	sst s21  }
0x35: {  	s23 =	sadd.s32 s3, s22;
	[smem:$0x7FA] =	sst s24;
	s26 =	sadd.s32 s3, s25  }
0x36: {  	[smem:$0x7FC] =	sst s7;
	s11 =	sadd.s32 s3, s10;
	s5 =	ssub.s32 s5, s9  }
0x37: {  	s12 =	sor.u32 $0x1A280, s4;
	s31 =	sadd.s32 s0, s22;
	s29 =	sadd.s32 s0, s25  }
0x38: {  	s28 =	sadd.s32 s3, s13;
	s14 =	sor.u32 $0x1C180, s4;
	s15 =	sor.u32 $0x1D100, s4  }
0x39: {  	s20 =	sadd.s32 s0, s13;
	s18 =	sadd.s32 s3, s19;
	s21 =	sor.u32 $0x1F000, s4  }
0x3a: {  	s4 =	sor.u32 $0x1FF80, s4;
	s8 =	sadd.s32 s0, s19;
	[smem:$0x7F9] =	sst s23  }
0x3b: {  	s19 =	simm.s32 $0xF800;
	s9 =	simm.s32 $0x2;
	[smem:$0x7FB] =	sst s26  }
0x3c: {  	s13 =	simm.s32 $0x7;
	[smem:$0x7FD] =	sst s11;
	s30 =	sadd.s32 s3, s12  }
0x3d: {  	s26 =	sadd.s32 s0, s10;
	s25 =	sadd.s32 s3, s14;
	s24 =	smax.u32 s5, $0x1  }
0x3e: {  	s23 =	sadd.s32 s0, s12;
	s22 =	sadd.s32 s3, s15;
	p1 =	sne.s32 s24, $0x1  }
.Ltmp0:
0x3f: {  	s17 =	sadd.s32 s0, s14;
	s16 =	sadd.s32 s3, s21;
	(pc) =	sbr.rel @!p1 .LBB2_3-.Ltmp0, $4  }
0x40: {  	s14 =	sadd.s32 s0, s15;
	s10 =	sadd.s32 s3, s4;
	s7 =	sadd.s32 s0, s21  }
0x41: {  	s3 =	sadd.s32 s0, s4;
	s11 =	simm.s32 $0x1;
	s15 =	simm.s32 $0x17400  }
0x42: {  	s5 =	simm.s32 $0x5;
	s4 =	simm.s32 $0x6;
	s21 =	simm.s32 $0x4  }
0x43: {  	s12 =	simm.s32 $0x8;
	s0 =	sadd.s32 $0xFFFFFFFF, s24;
	s24 =	simm.s32 $0x3  }
0x44: {  	[smem:$0x7E7] =	sst s0  }
0x45: {  	[tilespmem:s2], [sflag:$0x1] =	stream.linear.gather [hbm4b:s1+s2], $0x7C00, $0x38;
	[tilespmem:$0x1F000] =	vst v63  }
0x46: {  	s0 =	rddreg [dreg:$0x4]  }
0x47: {  	[tilespmem:s6], [sflag:$0x2] =	stream.linear.gather [hbm4b:s0+s2], $0x7C00, $0x38;
	[tilespmem:$0x1F000] =	vst v63  }
0x48: {  	s1 =	rddreg [dreg:$0x5]  }
0x49: {  	[tilespmem:s19], [sflag:$0x3] =	stream.linear.gather [hbm4b:s1+s2], $0x7C00, $0x38;
	[tilespmem:$0x1F000] =	vst v63  }
0x4a: {  	_ =	swait.ge [sflag:s11], $0x7C00  }
0x4b: {  	[sflag:s11] =	ssyncset.done $0x0  }
0x4c: {  	s0 =	rddreg [dreg:$0x6];
	[sflag:s11] =	ssyncadd.s32 $0xFFFF8400  }
0x4d: {  	[hbm4b:s0+s2] =	stream.linear.scatter [tilespmem:s2], [sflag:$0x5], $0x7C00, $0x38;
	[tilespmem:$0x1F000] =	vst v63  }
0x4e: {  	s1 =	rddreg [dreg:$0x7]  }
0x4f: {  	[tilespmem:s15], [sflag:$0x4] =	stream.linear.gather [hbm4b:s1+s2], $0x7C00, $0x38;
	[tilespmem:$0x1F000] =	vst v63  }
0x50: {  	_ =	swait.ge [sflag:s9], $0x7C00  }
0x51: {  	[sflag:s9] =	ssyncset.done $0x0  }
0x52: {  	s1 =	rddreg [dreg:$0x8];
	[sflag:s9] =	ssyncadd.s32 $0xFFFF8400  }
0x53: {  	[hbm4b:s1+s2] =	stream.linear.scatter [tilespmem:s6], [sflag:$0x6], $0x7C00, $0x38;
	[tilespmem:$0x1F000] =	vst v63  }
0x54: {  	_ =	swait.ge [sflag:s5], $0x7C00  }
0x55: {  	[sflag:s5] =	ssyncset.done $0x0  }
0x56: {  	s1 =	rddreg [dreg:$0x9];
	[sflag:s5] =	ssyncadd.s32 $0xFFFF8400  }
0x57: {  	[tilespmem:s2], [sflag:$0x1] =	stream.linear.gather [hbm4b:s1+s2], $0x7C00, $0x38;
	[tilespmem:$0x1F000] =	vst v63  }
0x58: {  	_ =	swait.ge [sflag:s24], $0x7C00  }
0x59: {  	[sflag:s24] =	ssyncset.done $0x0  }
0x5a: {  	s1 =	rddreg [dreg:$0xa];
	[sflag:s24] =	ssyncadd.s32 $0xFFFF8400  }
0x5b: {  	[hbm4b:s1+s2] =	stream.linear.scatter [tilespmem:s19], [sflag:$0x7], $0x7C00, $0x38;
	[tilespmem:$0x1F000] =	vst v63  }
0x5c: {  	_ =	swait.ge [sflag:s4], $0x7C00  }
0x5d: {  	[sflag:s4] =	ssyncset.done $0x0  }
0x5e: {  	s1 =	rddreg [dreg:$0xb];
	[sflag:s4] =	ssyncadd.s32 $0xFFFF8400  }
0x5f: {  	[tilespmem:s6], [sflag:$0x2] =	stream.linear.gather [hbm4b:s1+s2], $0x7C00, $0x38;
	[tilespmem:$0x1F000] =	vst v63  }
0x60: {  	_ =	swait.ge [sflag:s21], $0x7C00  }
0x61: {  	[sflag:s21] =	ssyncset.done $0x0  }
0x62: {  	s1 =	rddreg [dreg:$0xc];
	[sflag:s21] =	ssyncadd.s32 $0xFFFF8400  }
0x63: {  	[hbm4b:s1+s2] =	stream.linear.scatter [tilespmem:s15], [sflag:$0x8], $0x7C00, $0x38;
	[tilespmem:$0x1F000] =	vst v63  }
0x64: {  	_ =	swait.ge [sflag:s13], $0x7C00  }
0x65: {  	[sflag:s13] =	ssyncset.done $0x0  }
0x66: {  	s1 =	rddreg [dreg:$0xd];
	[sflag:s13] =	ssyncadd.s32 $0xFFFF8400  }
0x67: {  	[tilespmem:s19], [sflag:$0x3] =	stream.linear.gather [hbm4b:s1+s2], $0x7C00, $0x38;
	[tilespmem:$0x1F000] =	vst v63  }
0x68: {  	_ =	swait.ge [sflag:s11], $0x7C00  }
0x69: {  	[sflag:s11] =	ssyncset.done $0x0  }
0x6a: {  	s1 =	rddreg [dreg:$0xe];
	[sflag:s11] =	ssyncadd.s32 $0xFFFF8400  }
0x6b: {  	[hbm4b:s1+s2] =	stream.linear.scatter [tilespmem:s2], [sflag:$0x5], $0x7C00, $0x38;
	[tilespmem:$0x1F000] =	vst v63  }
0x6c: {  	_ =	swait.ge [sflag:s12], $0x7C00  }
0x6d: {  	[sflag:s12] =	ssyncset.done $0x0  }
0x6e: {  	s1 =	rddreg [dreg:$0xf];
	[sflag:s12] =	ssyncadd.s32 $0xFFFF8400  }
0x6f: {  	[tilespmem:s15], [sflag:$0x4] =	stream.linear.gather [hbm4b:s1+s2], $0x7C00, $0x38;
	[tilespmem:$0x1F000] =	vst v63  }
0x70: {  	_ =	swait.ge [sflag:s9], $0x7C00  }
0x71: {  	[sflag:s9] =	ssyncset.done $0x0  }
0x72: {  	s1 =	rddreg [dreg:$0x10];
	[sflag:s9] =	ssyncadd.s32 $0xFFFF8400  }
0x73: {  	[hbm4b:s1+s2] =	stream.linear.scatter [tilespmem:s6], [sflag:$0x6], $0x7C00, $0x38;
	[tilespmem:$0x1F000] =	vst v63  }
0x74: {  	_ =	swait.ge [sflag:s5], $0x7C00  }
0x75: {  	[sflag:s5] =	ssyncset.done $0x0  }
0x76: {  	s1 =	rddreg [dreg:$0x11];
	[sflag:s5] =	ssyncadd.s32 $0xFFFF8400  }
0x77: {  	[tilespmem:s2], [sflag:$0x1] =	stream.linear.gather [hbm4b:s1+s2], $0x7C00, $0x38;
	[tilespmem:$0x1F000] =	vst v63  }
0x78: {  	_ =	swait.ge [sflag:s24], $0x7C00  }
0x79: {  	[sflag:s24] =	ssyncset.done $0x0  }
0x7a: {  	s1 =	rddreg [dreg:$0x12];
	[sflag:s24] =	ssyncadd.s32 $0xFFFF8400  }
0x7b: {  	[hbm4b:s1+s2] =	stream.linear.scatter [tilespmem:s19], [sflag:$0x7], $0x7C00, $0x38;
	[tilespmem:$0x1F000] =	vst v63  }
0x7c: {  	_ =	swait.ge [sflag:s4], $0x7C00  }
0x7d: {  	[sflag:s4] =	ssyncset.done $0x0  }
0x7e: {  	s1 =	rddreg [dreg:$0x13];
	[sflag:s4] =	ssyncadd.s32 $0xFFFF8400  }
0x7f: {  	[tilespmem:s6], [sflag:$0x2] =	stream.linear.gather [hbm4b:s1+s2], $0x7C00, $0x38;
	[tilespmem:$0x1F000] =	vst v63  }
0x80: {  	_ =	swait.ge [sflag:s21], $0x7C00  }
0x81: {  	[sflag:s21] =	ssyncset.done $0x0  }
0x82: {  	s1 =	rddreg [dreg:$0x14];
	[sflag:s21] =	ssyncadd.s32 $0xFFFF8400  }
0x83: {  	[hbm4b:s1+s2] =	stream.linear.scatter [tilespmem:s15], [sflag:$0x8], $0x7C00, $0x38;
	[tilespmem:$0x1F000] =	vst v63  }
0x84: {  	_ =	swait.ge [sflag:s13], $0x7C00  }
0x85: {  	[sflag:s13] =	ssyncset.done $0x0  }
0x86: {  	s1 =	rddreg [dreg:$0x15];
	[sflag:s13] =	ssyncadd.s32 $0xFFFF8400  }
0x87: {  	[tilespmem:s19], [sflag:$0x3] =	stream.linear.gather [hbm4b:s1+s2], $0x7C00, $0x38;
	[tilespmem:$0x1F000] =	vst v63  }
0x88: {  	_ =	swait.ge [sflag:s11], $0x7C00  }
0x89: {  	[sflag:s11] =	ssyncset.done $0x0  }
0x8a: {  	s1 =	rddreg [dreg:$0x16];
	[sflag:s11] =	ssyncadd.s32 $0xFFFF8400  }
0x8b: {  	[hbm4b:s1+s2] =	stream.linear.scatter [tilespmem:s2], [sflag:$0x5], $0x7C00, $0x38;
	[tilespmem:$0x1F000] =	vst v63  }
0x8c: {  	_ =	swait.ge [sflag:s12], $0x7C00  }
0x8d: {  	[sflag:s12] =	ssyncset.done $0x0  }
0x8e: {  	s1 =	rddreg [dreg:$0x17];
	[sflag:s12] =	ssyncadd.s32 $0xFFFF8400  }
0x8f: {  	[tilespmem:s15], [sflag:$0x4] =	stream.linear.gather [hbm4b:s1+s2], $0x7C00, $0x38;
	[tilespmem:$0x1F000] =	vst v63  }
0x90: {  	_ =	swait.ge [sflag:s9], $0x7C00  }
0x91: {  	[sflag:s9] =	ssyncset.done $0x0  }
0x92: {  	s1 =	rddreg [dreg:$0x18];
	[sflag:s9] =	ssyncadd.s32 $0xFFFF8400  }
0x93: {  	[hbm4b:s1+s2] =	stream.linear.scatter [tilespmem:s6], [sflag:$0x6], $0x7C00, $0x38;
	[tilespmem:$0x1F000] =	vst v63  }
0x94: {  	_ =	swait.ge [sflag:s5], $0x7C00  }
0x95: {  	[sflag:s5] =	ssyncset.done $0x0  }
0x96: {  	s1 =	rddreg [dreg:$0x19];
	[sflag:s5] =	ssyncadd.s32 $0xFFFF8400  }
0x97: {  	[tilespmem:s2], [sflag:$0x1] =	stream.linear.gather [hbm4b:s1+s2], $0x7C00, $0x38;
	[tilespmem:$0x1F000] =	vst v63  }
0x98: {  	_ =	swait.ge [sflag:s24], $0x7C00  }
0x99: {  	[sflag:s24] =	ssyncset.done $0x0  }
0x9a: {  	s1 =	rddreg [dreg:$0x1a];
	[sflag:s24] =	ssyncadd.s32 $0xFFFF8400  }
0x9b: {  	[hbm4b:s1+s2] =	stream.linear.scatter [tilespmem:s19], [sflag:$0x7], $0x7C00, $0x38;
	[tilespmem:$0x1F000] =	vst v63  }
0x9c: {  	_ =	swait.ge [sflag:s4], $0x7C00  }
0x9d: {  	[sflag:s4] =	ssyncset.done $0x0  }
0x9e: {  	s1 =	rddreg [dreg:$0x1b];
	[sflag:s4] =	ssyncadd.s32 $0xFFFF8400  }
0x9f: {  	[tilespmem:s6], [sflag:$0x2] =	stream.linear.gather [hbm4b:s1+s2], $0x7C00, $0x38;
	[tilespmem:$0x1F000] =	vst v63  }
0xa0: {  	_ =	swait.ge [sflag:s21], $0x7C00  }
0xa1: {  	[sflag:s21] =	ssyncset.done $0x0  }
0xa2: {  	s1 =	rddreg [dreg:$0x1c];
	[sflag:s21] =	ssyncadd.s32 $0xFFFF8400  }
0xa3: {  	[hbm4b:s1+s2] =	stream.linear.scatter [tilespmem:s15], [sflag:$0x8], $0x7C00, $0x38;
	[tilespmem:$0x1F000] =	vst v63  }
0xa4: {  	_ =	swait.ge [sflag:s13], $0x7C00  }
0xa5: {  	[sflag:s13] =	ssyncset.done $0x0  }
0xa6: {  	s1 =	rddreg [dreg:$0x1d];
	[sflag:s13] =	ssyncadd.s32 $0xFFFF8400  }
0xa7: {  	[tilespmem:s19], [sflag:$0x3] =	stream.linear.gather [hbm4b:s1+s2], $0x7C00, $0x38;
	[tilespmem:$0x1F000] =	vst v63  }
0xa8: {  	_ =	swait.ge [sflag:s11], $0x7C00  }
0xa9: {  	[sflag:s11] =	ssyncset.done $0x0  }
0xaa: {  	s1 =	rddreg [dreg:$0x1e];
	[sflag:s11] =	ssyncadd.s32 $0xFFFF8400  }
0xab: {  	[hbm4b:s1+s2] =	stream.linear.scatter [tilespmem:s2], [sflag:$0x5], $0x7C00, $0x38;
	[tilespmem:$0x1F000] =	vst v63  }
0xac: {  	_ =	swait.ge [sflag:s12], $0x7C00  }
0xad: {  	[sflag:s12] =	ssyncset.done $0x0  }
0xae: {  	s1 =	rddreg [dreg:$0x1f];
	[sflag:s12] =	ssyncadd.s32 $0xFFFF8400  }
0xaf: {  	[tilespmem:s15], [sflag:$0x4] =	stream.linear.gather [hbm4b:s1+s2], $0x7C00, $0x38;
	[tilespmem:$0x1F000] =	vst v63  }
0xb0: {  	_ =	swait.ge [sflag:s9], $0x7C00  }
0xb1: {  	s1 =	sld [smem:$0x7E8]  }
0xb2: {  	[sflag:s9] =	ssyncset.done $0x0  }
0xb3: {  	[sflag:s9] =	ssyncadd.s32 $0xFFFF8400  }
0xb4: {  	[hbm4b:s1+s2] =	stream.linear.scatter [tilespmem:s6], [sflag:$0x6], $0x7C00, $0x38;
	[tilespmem:$0x1F000] =	vst v63  }
0xb5: {  	_ =	swait.ge [sflag:s5], $0x7C00  }
0xb6: {  	s1 =	sld [smem:$0x7E9]  }
0xb7: {  	[sflag:s5] =	ssyncset.done $0x0  }
0xb8: {  	[sflag:s5] =	ssyncadd.s32 $0xFFFF8400  }
0xb9: {  	[tilespmem:s2], [sflag:$0x1] =	stream.linear.gather [hbm4b:s1+s2], $0x7C00, $0x38;
	[tilespmem:$0x1F000] =	vst v63  }
0xba: {  	_ =	swait.ge [sflag:s24], $0x7C00  }
0xbb: {  	s1 =	sld [smem:$0x7EA]  }
0xbc: {  	[sflag:s24] =	ssyncset.done $0x0  }
0xbd: {  	[sflag:s24] =	ssyncadd.s32 $0xFFFF8400  }
0xbe: {  	[hbm4b:s1+s2] =	stream.linear.scatter [tilespmem:s19], [sflag:$0x7], $0x7C00, $0x38;
	[tilespmem:$0x1F000] =	vst v63  }
0xbf: {  	_ =	swait.ge [sflag:s4], $0x7C00  }
0xc0: {  	s1 =	sld [smem:$0x7EB]  }
0xc1: {  	[sflag:s4] =	ssyncset.done $0x0  }
0xc2: {  	[sflag:s4] =	ssyncadd.s32 $0xFFFF8400  }
0xc3: {  	[tilespmem:s6], [sflag:$0x2] =	stream.linear.gather [hbm4b:s1+s2], $0x7C00, $0x38;
	[tilespmem:$0x1F000] =	vst v63  }
0xc4: {  	_ =	swait.ge [sflag:s21], $0x7C00  }
0xc5: {  	s1 =	sld [smem:$0x7EC]  }
0xc6: {  	[sflag:s21] =	ssyncset.done $0x0  }
0xc7: {  	[sflag:s21] =	ssyncadd.s32 $0xFFFF8400  }
0xc8: {  	[hbm4b:s1+s2] =	stream.linear.scatter [tilespmem:s15], [sflag:$0x8], $0x7C00, $0x38;
	[tilespmem:$0x1F000] =	vst v63  }
0xc9: {  	_ =	swait.ge [sflag:s13], $0x7C00  }
0xca: {  	s1 =	sld [smem:$0x7ED]  }
0xcb: {  	[sflag:s13] =	ssyncset.done $0x0  }
0xcc: {  	[sflag:s13] =	ssyncadd.s32 $0xFFFF8400  }
0xcd: {  	[tilespmem:s19], [sflag:$0x3] =	stream.linear.gather [hbm4b:s1+s2], $0x7C00, $0x38;
	[tilespmem:$0x1F000] =	vst v63  }
0xce: {  	_ =	swait.ge [sflag:s11], $0x7C00  }
0xcf: {  	s1 =	sld [smem:$0x7EE]  }
0xd0: {  	[sflag:s11] =	ssyncset.done $0x0  }
0xd1: {  	[sflag:s11] =	ssyncadd.s32 $0xFFFF8400  }
0xd2: {  	[hbm4b:s1+s2] =	stream.linear.scatter [tilespmem:s2], [sflag:$0x5], $0x7C00, $0x38;
	[tilespmem:$0x1F000] =	vst v63  }
0xd3: {  	_ =	swait.ge [sflag:s12], $0x7C00  }
0xd4: {  	s1 =	sld [smem:$0x7EF]  }
0xd5: {  	[sflag:s12] =	ssyncset.done $0x0  }
0xd6: {  	[sflag:s12] =	ssyncadd.s32 $0xFFFF8400  }
0xd7: {  	[tilespmem:s15], [sflag:$0x4] =	stream.linear.gather [hbm4b:s1+s2], $0x7C00, $0x38;
	[tilespmem:$0x1F000] =	vst v63  }
0xd8: {  	_ =	swait.ge [sflag:s9], $0x7C00  }
0xd9: {  	s1 =	sld [smem:$0x7F0]  }
0xda: {  	[sflag:s9] =	ssyncset.done $0x0  }
0xdb: {  	[sflag:s9] =	ssyncadd.s32 $0xFFFF8400  }
0xdc: {  	[hbm4b:s1+s2] =	stream.linear.scatter [tilespmem:s6], [sflag:$0x6], $0x7C00, $0x38;
	[tilespmem:$0x1F000] =	vst v63  }
0xdd: {  	_ =	swait.ge [sflag:s5], $0x7C00  }
0xde: {  	s1 =	sld [smem:$0x7F1]  }
0xdf: {  	[sflag:s5] =	ssyncset.done $0x0  }
0xe0: {  	[sflag:s5] =	ssyncadd.s32 $0xFFFF8400  }
0xe1: {  	[tilespmem:s2], [sflag:$0x1] =	stream.linear.gather [hbm4b:s1+s2], $0x7C00, $0x38;
	[tilespmem:$0x1F000] =	vst v63  }
0xe2: {  	_ =	swait.ge [sflag:s24], $0x7C00  }
0xe3: {  	s1 =	sld [smem:$0x7F2]  }
0xe4: {  	[sflag:s24] =	ssyncset.done $0x0  }
0xe5: {  	[sflag:s24] =	ssyncadd.s32 $0xFFFF8400  }
0xe6: {  	[hbm4b:s1+s2] =	stream.linear.scatter [tilespmem:s19], [sflag:$0x7], $0x7C00, $0x38;
	[tilespmem:$0x1F000] =	vst v63  }
0xe7: {  	_ =	swait.ge [sflag:s4], $0x7C00  }
0xe8: {  	s1 =	sld [smem:$0x7F3]  }
0xe9: {  	[sflag:s4] =	ssyncset.done $0x0  }
0xea: {  	[sflag:s4] =	ssyncadd.s32 $0xFFFF8400  }
0xeb: {  	[tilespmem:s6], [sflag:$0x2] =	stream.linear.gather [hbm4b:s1+s2], $0x7C00, $0x38;
	[tilespmem:$0x1F000] =	vst v63  }
0xec: {  	_ =	swait.ge [sflag:s21], $0x7C00  }
0xed: {  	s1 =	sld [smem:$0x7F4]  }
0xee: {  	[sflag:s21] =	ssyncset.done $0x0  }
0xef: {  	[sflag:s21] =	ssyncadd.s32 $0xFFFF8400  }
0xf0: {  	[hbm4b:s1+s2] =	stream.linear.scatter [tilespmem:s15], [sflag:$0x8], $0x7C00, $0x38;
	[tilespmem:$0x1F000] =	vst v63  }
0xf1: {  	_ =	swait.ge [sflag:s13], $0x7C00  }
0xf2: {  	s1 =	sld [smem:$0x7F5]  }
0xf3: {  	[sflag:s13] =	ssyncset.done $0x0  }
0xf4: {  	[sflag:s13] =	ssyncadd.s32 $0xFFFF8400  }
0xf5: {  	[tilespmem:s19], [sflag:$0x3] =	stream.linear.gather [hbm4b:s1+s2], $0x7C00, $0x38;
	[tilespmem:$0x1F000] =	vst v63  }
0xf6: {  	_ =	swait.ge [sflag:s11], $0x7C00  }
0xf7: {  	s1 =	sld [smem:$0x7F6]  }
0xf8: {  	[sflag:s11] =	ssyncset.done $0x0  }
0xf9: {  	[sflag:s11] =	ssyncadd.s32 $0xFFFF8400  }
0xfa: {  	[hbm4b:s1+s2] =	stream.linear.scatter [tilespmem:s2], [sflag:$0x5], $0x7C00, $0x38;
	[tilespmem:$0x1F000] =	vst v63  }
0xfb: {  	_ =	swait.ge [sflag:s12], $0x7C00  }
0xfc: {  	s1 =	sld [smem:$0x7F7]  }
0xfd: {  	[sflag:s12] =	ssyncset.done $0x0  }
0xfe: {  	[sflag:s12] =	ssyncadd.s32 $0xFFFF8400  }
0xff: {  	[tilespmem:s15], [sflag:$0x4] =	stream.linear.gather [hbm4b:s1+s2], $0x7C00, $0x38;
	[tilespmem:$0x1F000] =	vst v63  }
0x100: {  	_ =	swait.ge [sflag:s9], $0x7C00  }
0x101: {  	s1 =	sld [smem:$0x7F8]  }
0x102: {  	[sflag:s9] =	ssyncset.done $0x0  }
0x103: {  	[sflag:s9] =	ssyncadd.s32 $0xFFFF8400  }
0x104: {  	[hbm4b:s1+s2] =	stream.linear.scatter [tilespmem:s6], [sflag:$0x6], $0x7C00, $0x38;
	[tilespmem:$0x1F000] =	vst v63  }
0x105: {  	_ =	swait.ge [sflag:s5], $0x7C00  }
0x106: {  	s1 =	sld [smem:$0x7F9]  }
0x107: {  	[sflag:s5] =	ssyncset.done $0x0  }
0x108: {  	[sflag:s5] =	ssyncadd.s32 $0xFFFF8400  }
0x109: {  	[tilespmem:s2], [sflag:$0x1] =	stream.linear.gather [hbm4b:s1+s2], $0x7C00, $0x38;
	[tilespmem:$0x1F000] =	vst v63  }
0x10a: {  	_ =	swait.ge [sflag:s24], $0x7C00  }
0x10b: {  	s1 =	sld [smem:$0x7FA]  }
0x10c: {  	[sflag:s24] =	ssyncset.done $0x0  }
0x10d: {  	[sflag:s24] =	ssyncadd.s32 $0xFFFF8400  }
0x10e: {  	[hbm4b:s1+s2] =	stream.linear.scatter [tilespmem:s19], [sflag:$0x7], $0x7C00, $0x38;
	[tilespmem:$0x1F000] =	vst v63  }
0x10f: {  	_ =	swait.ge [sflag:s4], $0x7C00  }
0x110: {  	s1 =	sld [smem:$0x7FB]  }
0x111: {  	[sflag:s4] =	ssyncset.done $0x0  }
0x112: {  	[sflag:s4] =	ssyncadd.s32 $0xFFFF8400  }
0x113: {  	[tilespmem:s6], [sflag:$0x2] =	stream.linear.gather [hbm4b:s1+s2], $0x7C00, $0x38;
	[tilespmem:$0x1F000] =	vst v63  }
0x114: {  	_ =	swait.ge [sflag:s21], $0x7C00  }
0x115: {  	s1 =	sld [smem:$0x7FC]  }
0x116: {  	[sflag:s21] =	ssyncset.done $0x0  }
0x117: {  	[sflag:s21] =	ssyncadd.s32 $0xFFFF8400  }
0x118: {  	[hbm4b:s1+s2] =	stream.linear.scatter [tilespmem:s15], [sflag:$0x8], $0x7C00, $0x38;
	[tilespmem:$0x1F000] =	vst v63  }
0x119: {  	_ =	swait.ge [sflag:s13], $0x7C00  }
0x11a: {  	s1 =	sld [smem:$0x7FD]  }
0x11b: {  	[sflag:s13] =	ssyncset.done $0x0  }
0x11c: {  	[sflag:s13] =	ssyncadd.s32 $0xFFFF8400  }
0x11d: {  	[tilespmem:s19], [sflag:$0x3] =	stream.linear.gather [hbm4b:s1+s2], $0x7C00, $0x38;
	[tilespmem:$0x1F000] =	vst v63  }
0x11e: {  	_ =	swait.ge [sflag:s11], $0x7C00  }
0x11f: {  	[sflag:s11] =	ssyncset.done $0x0  }
0x120: {  	[sflag:s11] =	ssyncadd.s32 $0xFFFF8400  }
0x121: {  	[hbm4b:s31+s2] =	stream.linear.scatter [tilespmem:s2], [sflag:$0x5], $0x7C00, $0x38;
	[tilespmem:$0x1F000] =	vst v63  }
0x122: {  	_ =	swait.ge [sflag:s12], $0x7C00  }
0x123: {  	[sflag:s12] =	ssyncset.done $0x0  }
0x124: {  	[sflag:s12] =	ssyncadd.s32 $0xFFFF8400  }
0x125: {  	[tilespmem:s15], [sflag:$0x4] =	stream.linear.gather [hbm4b:s30+s2], $0x7C00, $0x38;
	[tilespmem:$0x1F000] =	vst v63  }
0x126: {  	_ =	swait.ge [sflag:s9], $0x7C00  }
0x127: {  	[sflag:s9] =	ssyncset.done $0x0  }
0x128: {  	[sflag:s9] =	ssyncadd.s32 $0xFFFF8400  }
0x129: {  	[hbm4b:s29+s2] =	stream.linear.scatter [tilespmem:s6], [sflag:$0x6], $0x7C00, $0x38;
	[tilespmem:$0x1F000] =	vst v63  }
0x12a: {  	_ =	swait.ge [sflag:s5], $0x7C00  }
0x12b: {  	[sflag:s5] =	ssyncset.done $0x0  }
0x12c: {  	[sflag:s5] =	ssyncadd.s32 $0xFFFF8400  }
0x12d: {  	[tilespmem:s2], [sflag:$0x1] =	stream.linear.gather [hbm4b:s28+s2], $0x7C00, $0x38;
	[tilespmem:$0x1F000] =	vst v63  }
0x12e: {  	_ =	swait.ge [sflag:s24], $0x7C00  }
0x12f: {  	[sflag:s24] =	ssyncset.done $0x0  }
0x130: {  	[sflag:s24] =	ssyncadd.s32 $0xFFFF8400  }
0x131: {  	[hbm4b:s26+s2] =	stream.linear.scatter [tilespmem:s19], [sflag:$0x7], $0x7C00, $0x38;
	[tilespmem:$0x1F000] =	vst v63  }
0x132: {  	_ =	swait.ge [sflag:s4], $0x7C00  }
0x133: {  	[sflag:s4] =	ssyncset.done $0x0  }
0x134: {  	[sflag:s4] =	ssyncadd.s32 $0xFFFF8400  }
0x135: {  	[tilespmem:s6], [sflag:$0x2] =	stream.linear.gather [hbm4b:s25+s2], $0x7C00, $0x38;
	[tilespmem:$0x1F000] =	vst v63  }
0x136: {  	_ =	swait.ge [sflag:s21], $0x7C00  }
0x137: {  	[sflag:s21] =	ssyncset.done $0x0  }
0x138: {  	[sflag:s21] =	ssyncadd.s32 $0xFFFF8400  }
0x139: {  	[hbm4b:s23+s2] =	stream.linear.scatter [tilespmem:s15], [sflag:$0x8], $0x7C00, $0x38;
	[tilespmem:$0x1F000] =	vst v63  }
0x13a: {  	_ =	swait.ge [sflag:s13], $0x7C00  }
0x13b: {  	[sflag:s13] =	ssyncset.done $0x0  }
0x13c: {  	[sflag:s13] =	ssyncadd.s32 $0xFFFF8400  }
0x13d: {  	[tilespmem:s19], [sflag:$0x3] =	stream.linear.gather [hbm4b:s22+s2], $0x7C00, $0x38;
	[tilespmem:$0x1F000] =	vst v63  }
0x13e: {  	_ =	swait.ge [sflag:s11], $0x7C00  }
0x13f: {  	[sflag:s11] =	ssyncset.done $0x0  }
0x140: {  	[sflag:s11] =	ssyncadd.s32 $0xFFFF8400  }
0x141: {  	[hbm4b:s20+s2] =	stream.linear.scatter [tilespmem:s2], [sflag:$0x5], $0x7C00, $0x38;
	[tilespmem:$0x1F000] =	vst v63  }
0x142: {  	_ =	swait.ge [sflag:s12], $0x7C00  }
0x143: {  	[sflag:s12] =	ssyncset.done $0x0  }
0x144: {  	[sflag:s12] =	ssyncadd.s32 $0xFFFF8400  }
0x145: {  	[tilespmem:s15], [sflag:$0x4] =	stream.linear.gather [hbm4b:s18+s2], $0x7C00, $0x38;
	[tilespmem:$0x1F000] =	vst v63  }
0x146: {  	_ =	swait.ge [sflag:s9], $0x7C00  }
0x147: {  	[sflag:s9] =	ssyncset.done $0x0  }
0x148: {  	[sflag:s9] =	ssyncadd.s32 $0xFFFF8400  }
0x149: {  	[hbm4b:s17+s2] =	stream.linear.scatter [tilespmem:s6], [sflag:$0x6], $0x7C00, $0x38;
	[tilespmem:$0x1F000] =	vst v63  }
0x14a: {  	_ =	swait.ge [sflag:s5], $0x7C00  }
0x14b: {  	[sflag:s5] =	ssyncset.done $0x0  }
0x14c: {  	[sflag:s5] =	ssyncadd.s32 $0xFFFF8400  }
0x14d: {  	[tilespmem:s2], [sflag:$0x1] =	stream.linear.gather [hbm4b:s16+s2], $0x7C00, $0x38;
	[tilespmem:$0x1F000] =	vst v63  }
0x14e: {  	_ =	swait.ge [sflag:s24], $0x7C00  }
0x14f: {  	[sflag:s24] =	ssyncset.done $0x0  }
0x150: {  	[sflag:s24] =	ssyncadd.s32 $0xFFFF8400  }
0x151: {  	[hbm4b:s14+s2] =	stream.linear.scatter [tilespmem:s19], [sflag:$0x7], $0x7C00, $0x38;
	[tilespmem:$0x1F000] =	vst v63  }
0x152: {  	_ =	swait.ge [sflag:s4], $0x7C00  }
0x153: {  	[sflag:s4] =	ssyncset.done $0x0  }
0x154: {  	[sflag:s4] =	ssyncadd.s32 $0xFFFF8400  }
0x155: {  	[tilespmem:s6], [sflag:$0x2] =	stream.linear.gather [hbm4b:s10+s2], $0x400, $0x38;
	[tilespmem:$0x1F000] =	vst v63  }
0x156: {  	_ =	swait.ge [sflag:s21], $0x7C00  }
0x157: {  	[sflag:s21] =	ssyncset.done $0x0  }
0x158: {  	[sflag:s21] =	ssyncadd.s32 $0xFFFF8400  }
0x159: {  	[hbm4b:s8+s2] =	stream.linear.scatter [tilespmem:s15], [sflag:$0x8], $0x7C00, $0x38;
	[tilespmem:$0x1F000] =	vst v63  }
0x15a: {  	_ =	swait.ge [sflag:s11], $0x7C00  }
0x15b: {  	[sflag:s11] =	ssyncset.done $0x0  }
0x15c: {  	[sflag:s11] =	ssyncadd.s32 $0xFFFF8400  }
0x15d: {  	[hbm4b:s7+s2] =	stream.linear.scatter [tilespmem:s2], [sflag:$0x5], $0x7C00, $0x38;
	[tilespmem:$0x1F000] =	vst v63  }
0x15e: {  	_ =	swait.ge [sflag:s9], $0x400  }
0x15f: {  	[sflag:s9] =	ssyncset.done $0x0  }
0x160: {  	[sflag:s9] =	ssyncadd.s32 $0xFFFFFC00  }
0x161: {  	[hbm4b:s3+s2] =	stream.linear.scatter [tilespmem:s6], [sflag:$0x6], $0x400, $0x38;
	[tilespmem:$0x1F000] =	vst v63  }
0x162: {  	_ =	swait.ge [sflag:s13], $0x7C00  }
0x163: {  	[sflag:s13] =	ssyncset.done $0x0  }
0x164: {  	[sflag:s13] =	ssyncadd.s32 $0xFFFF8400  }
0x165: {  	_ =	swait.ge [sflag:s12], $0x7C00  }
0x166: {  	[sflag:s12] =	ssyncset.done $0x0  }
0x167: {  	[sflag:s12] =	ssyncadd.s32 $0xFFFF8400  }
0x168: {  	_ =	swait.ge [sflag:s5], $0x7C00  }
0x169: {  	s1 =	sld [smem:$0x7E7];
	_ =	sdelay $0x2  }
0x16a: {  	p1 =	sne.s32 s1, $0x1  }
.Ltmp1:
0x16b: {  	_ = 	snop;
	(pc) =	sbr.rel @!p1 .LBB2_3-.Ltmp1, $4  }
0x16c: {  	[sflag:s5] =	ssyncset.done $0x0  }
0x16d: {  	[sflag:s5] =	ssyncadd.s32 $0xFFFF8400  }
0x16e: {  	p0 =	por $0x1, $0x1;
	_ =	swait.ge [sflag:s4], $0x400  }
0x16f: {  	s0 =	sadd.s32 $0xFFFFFFFF, s1;
	s1 =	rddreg [dreg:$0x3];
	[sflag:s4] =	ssyncset.done $0x0  }
.LBB2_2:
0x170: {  	[sflag:s4] =	ssyncadd.s32 $0xFFFFFC00;
	s12 =	simm.s32 $0x7C00  }
0x171: {  	s15 =	smov.u32 s31;
	s31 =	smov.u32 s30;
	s30 =	smov.u32 s29  }
0x172: {  	s29 =	smov.u32 s28;
	s28 =	smov.u32 s26;
	s26 =	smov.u32 s25  }
0x173: {  	s25 =	smov.u32 s23;
	s23 =	smov.u32 s22;
	s22 =	smov.u32 s20  }
0x174: {  	s20 =	smov.u32 s18;
	s18 =	smov.u32 s17;
	s17 =	smov.u32 s16  }
0x175: {  	s16 =	smov.u32 s14;
	s14 =	smov.u32 s10;
	s10 =	smov.u32 s8  }
0x176: {  	[tilespmem:s2], [sflag:$0x1] =	stream.linear.gather [hbm4b:s1+s2], $0x7C00, $0x38;
	[tilespmem:$0x1F000] =	vst v63  }
0x177: {  	s8 =	smov.u32 s7;
	s7 =	smov.u32 s3;
	s3 =	rddreg [dreg:$0x4]  }
0x178: {  	[tilespmem:s12], [sflag:$0x2] =	stream.linear.gather [hbm4b:s3+s2], $0x7C00, $0x38;
	[tilespmem:$0x1F000] =	vst v63  }
0x179: {  	s6 =	simm.s32 $0xF800;
	s1 =	rddreg [dreg:$0x5]  }
0x17a: {  	[tilespmem:s6], [sflag:$0x3] =	stream.linear.gather [hbm4b:s1+s2], $0x7C00, $0x38;
	[tilespmem:$0x1F000] =	vst v63  }
0x17b: {  	_ =	swait.ge [sflag:s11], $0x7C00  }
0x17c: {  	[sflag:s11] =	ssyncset.done $0x0  }
0x17d: {  	s1 =	rddreg [dreg:$0x6];
	[sflag:s11] =	ssyncadd.s32 $0xFFFF8400  }
0x17e: {  	[hbm4b:s1+s2] =	stream.linear.scatter [tilespmem:s2], [sflag:$0x5], $0x7C00, $0x38;
	[tilespmem:$0x1F000] =	vst v63  }
0x17f: {  	s19 =	simm.s32 $0x17400;
	s3 =	rddreg [dreg:$0x7]  }
0x180: {  	[tilespmem:s19], [sflag:$0x4] =	stream.linear.gather [hbm4b:s3+s2], $0x7C00, $0x38;
	[tilespmem:$0x1F000] =	vst v63  }
0x181: {  	_ =	swait.ge [sflag:s9], $0x7C00  }
0x182: {  	[sflag:s9] =	ssyncset.done $0x0  }
0x183: {  	s6 =	simm.s32 $0x7C00;
	s1 =	rddreg [dreg:$0x8];
	[sflag:s9] =	ssyncadd.s32 $0xFFFF8400  }
0x184: {  	[hbm4b:s1+s2] =	stream.linear.scatter [tilespmem:s6], [sflag:$0x6], $0x7C00, $0x38;
	[tilespmem:$0x1F000] =	vst v63  }
0x185: {  	s19 =	simm.s32 $0xF800;
	_ =	swait.ge [sflag:s5], $0x7C00  }
0x186: {  	s3 =	smov.u32 s7;
	s7 =	smov.u32 s8;
	[sflag:s5] =	ssyncset.done $0x0  }
0x187: {  	s8 =	smov.u32 s10;
	s1 =	rddreg [dreg:$0x9];
	[sflag:s5] =	ssyncadd.s32 $0xFFFF8400  }
0x188: {  	[tilespmem:s2], [sflag:$0x1] =	stream.linear.gather [hbm4b:s1+s2], $0x7C00, $0x38;
	[tilespmem:$0x1F000] =	vst v63  }
0x189: {  	s10 =	smov.u32 s14;
	s14 =	smov.u32 s16;
	_ =	swait.ge [sflag:s24], $0x7C00  }
0x18a: {  	s16 =	smov.u32 s17;
	s17 =	smov.u32 s18;
	[sflag:s24] =	ssyncset.done $0x0  }
0x18b: {  	s18 =	smov.u32 s20;
	s1 =	rddreg [dreg:$0xa];
	[sflag:s24] =	ssyncadd.s32 $0xFFFF8400  }
0x18c: {  	[hbm4b:s1+s2] =	stream.linear.scatter [tilespmem:s19], [sflag:$0x7], $0x7C00, $0x38;
	[tilespmem:$0x1F000] =	vst v63  }
0x18d: {  	s20 =	smov.u32 s22;
	s22 =	smov.u32 s23;
	_ =	swait.ge [sflag:s4], $0x7C00  }
0x18e: {  	s23 =	smov.u32 s25;
	s25 =	smov.u32 s26;
	[sflag:s4] =	ssyncset.done $0x0  }
0x18f: {  	s26 =	smov.u32 s28;
	s1 =	rddreg [dreg:$0xb];
	[sflag:s4] =	ssyncadd.s32 $0xFFFF8400  }
0x190: {  	[tilespmem:s6], [sflag:$0x2] =	stream.linear.gather [hbm4b:s1+s2], $0x7C00, $0x38;
	[tilespmem:$0x1F000] =	vst v63  }
0x191: {  	s28 =	smov.u32 s29;
	s29 =	smov.u32 s30;
	_ =	swait.ge [sflag:s21], $0x7C00  }
0x192: {  	s30 =	smov.u32 s31;
	s31 =	smov.u32 s15;
	[sflag:s21] =	ssyncset.done $0x0  }
0x193: {  	s15 =	simm.s32 $0x17400;
	s1 =	rddreg [dreg:$0xc];
	[sflag:s21] =	ssyncadd.s32 $0xFFFF8400  }
0x194: {  	[hbm4b:s1+s2] =	stream.linear.scatter [tilespmem:s15], [sflag:$0x8], $0x7C00, $0x38;
	[tilespmem:$0x1F000] =	vst v63  }
0x195: {  	_ =	swait.ge [sflag:s13], $0x7C00  }
0x196: {  	[sflag:s13] =	ssyncset.done $0x0  }
0x197: {  	s1 =	rddreg [dreg:$0xd];
	[sflag:s13] =	ssyncadd.s32 $0xFFFF8400  }
0x198: {  	[tilespmem:s19], [sflag:$0x3] =	stream.linear.gather [hbm4b:s1+s2], $0x7C00, $0x38;
	[tilespmem:$0x1F000] =	vst v63  }
0x199: {  	_ =	swait.ge [sflag:s11], $0x7C00  }
0x19a: {  	[sflag:s11] =	ssyncset.done $0x0  }
0x19b: {  	s12 =	simm.s32 $0x8;
	s1 =	rddreg [dreg:$0xe];
	[sflag:s11] =	ssyncadd.s32 $0xFFFF8400  }
0x19c: {  	[hbm4b:s1+s2] =	stream.linear.scatter [tilespmem:s2], [sflag:$0x5], $0x7C00, $0x38;
	[tilespmem:$0x1F000] =	vst v63  }
0x19d: {  	_ =	swait.ge [sflag:s12], $0x7C00  }
0x19e: {  	[sflag:s12] =	ssyncset.done $0x0  }
0x19f: {  	s1 =	rddreg [dreg:$0xf];
	[sflag:s12] =	ssyncadd.s32 $0xFFFF8400  }
0x1a0: {  	[tilespmem:s15], [sflag:$0x4] =	stream.linear.gather [hbm4b:s1+s2], $0x7C00, $0x38;
	[tilespmem:$0x1F000] =	vst v63  }
0x1a1: {  	_ =	swait.ge [sflag:s9], $0x7C00  }
0x1a2: {  	[sflag:s9] =	ssyncset.done $0x0  }
0x1a3: {  	s1 =	rddreg [dreg:$0x10];
	[sflag:s9] =	ssyncadd.s32 $0xFFFF8400  }
0x1a4: {  	[hbm4b:s1+s2] =	stream.linear.scatter [tilespmem:s6], [sflag:$0x6], $0x7C00, $0x38;
	[tilespmem:$0x1F000] =	vst v63  }
0x1a5: {  	_ =	swait.ge [sflag:s5], $0x7C00  }
0x1a6: {  	[sflag:s5] =	ssyncset.done $0x0  }
0x1a7: {  	s1 =	rddreg [dreg:$0x11];
	[sflag:s5] =	ssyncadd.s32 $0xFFFF8400  }
0x1a8: {  	[tilespmem:s2], [sflag:$0x1] =	stream.linear.gather [hbm4b:s1+s2], $0x7C00, $0x38;
	[tilespmem:$0x1F000] =	vst v63  }
0x1a9: {  	_ =	swait.ge [sflag:s24], $0x7C00  }
0x1aa: {  	[sflag:s24] =	ssyncset.done $0x0  }
0x1ab: {  	s1 =	rddreg [dreg:$0x12];
	[sflag:s24] =	ssyncadd.s32 $0xFFFF8400  }
0x1ac: {  	[hbm4b:s1+s2] =	stream.linear.scatter [tilespmem:s19], [sflag:$0x7], $0x7C00, $0x38;
	[tilespmem:$0x1F000] =	vst v63  }
0x1ad: {  	_ =	swait.ge [sflag:s4], $0x7C00  }
0x1ae: {  	[sflag:s4] =	ssyncset.done $0x0  }
0x1af: {  	s1 =	rddreg [dreg:$0x13];
	[sflag:s4] =	ssyncadd.s32 $0xFFFF8400  }
0x1b0: {  	[tilespmem:s6], [sflag:$0x2] =	stream.linear.gather [hbm4b:s1+s2], $0x7C00, $0x38;
	[tilespmem:$0x1F000] =	vst v63  }
0x1b1: {  	_ =	swait.ge [sflag:s21], $0x7C00  }
0x1b2: {  	[sflag:s21] =	ssyncset.done $0x0  }
0x1b3: {  	s1 =	rddreg [dreg:$0x14];
	[sflag:s21] =	ssyncadd.s32 $0xFFFF8400  }
0x1b4: {  	[hbm4b:s1+s2] =	stream.linear.scatter [tilespmem:s15], [sflag:$0x8], $0x7C00, $0x38;
	[tilespmem:$0x1F000] =	vst v63  }
0x1b5: {  	_ =	swait.ge [sflag:s13], $0x7C00  }
0x1b6: {  	[sflag:s13] =	ssyncset.done $0x0  }
0x1b7: {  	s1 =	rddreg [dreg:$0x15];
	[sflag:s13] =	ssyncadd.s32 $0xFFFF8400  }
0x1b8: {  	[tilespmem:s19], [sflag:$0x3] =	stream.linear.gather [hbm4b:s1+s2], $0x7C00, $0x38;
	[tilespmem:$0x1F000] =	vst v63  }
0x1b9: {  	_ =	swait.ge [sflag:s11], $0x7C00  }
0x1ba: {  	[sflag:s11] =	ssyncset.done $0x0  }
0x1bb: {  	s1 =	rddreg [dreg:$0x16];
	[sflag:s11] =	ssyncadd.s32 $0xFFFF8400  }
0x1bc: {  	[hbm4b:s1+s2] =	stream.linear.scatter [tilespmem:s2], [sflag:$0x5], $0x7C00, $0x38;
	[tilespmem:$0x1F000] =	vst v63  }
0x1bd: {  	_ =	swait.ge [sflag:s12], $0x7C00  }
0x1be: {  	[sflag:s12] =	ssyncset.done $0x0  }
0x1bf: {  	s1 =	rddreg [dreg:$0x17];
	[sflag:s12] =	ssyncadd.s32 $0xFFFF8400  }
0x1c0: {  	[tilespmem:s15], [sflag:$0x4] =	stream.linear.gather [hbm4b:s1+s2], $0x7C00, $0x38;
	[tilespmem:$0x1F000] =	vst v63  }
0x1c1: {  	_ =	swait.ge [sflag:s9], $0x7C00  }
0x1c2: {  	[sflag:s9] =	ssyncset.done $0x0  }
0x1c3: {  	s1 =	rddreg [dreg:$0x18];
	[sflag:s9] =	ssyncadd.s32 $0xFFFF8400  }
0x1c4: {  	[hbm4b:s1+s2] =	stream.linear.scatter [tilespmem:s6], [sflag:$0x6], $0x7C00, $0x38;
	[tilespmem:$0x1F000] =	vst v63  }
0x1c5: {  	_ =	swait.ge [sflag:s5], $0x7C00  }
0x1c6: {  	[sflag:s5] =	ssyncset.done $0x0  }
0x1c7: {  	s1 =	rddreg [dreg:$0x19];
	[sflag:s5] =	ssyncadd.s32 $0xFFFF8400  }
0x1c8: {  	[tilespmem:s2], [sflag:$0x1] =	stream.linear.gather [hbm4b:s1+s2], $0x7C00, $0x38;
	[tilespmem:$0x1F000] =	vst v63  }
0x1c9: {  	_ =	swait.ge [sflag:s24], $0x7C00  }
0x1ca: {  	[sflag:s24] =	ssyncset.done $0x0  }
0x1cb: {  	s1 =	rddreg [dreg:$0x1a];
	[sflag:s24] =	ssyncadd.s32 $0xFFFF8400  }
0x1cc: {  	[hbm4b:s1+s2] =	stream.linear.scatter [tilespmem:s19], [sflag:$0x7], $0x7C00, $0x38;
	[tilespmem:$0x1F000] =	vst v63  }
0x1cd: {  	_ =	swait.ge [sflag:s4], $0x7C00  }
0x1ce: {  	[sflag:s4] =	ssyncset.done $0x0  }
0x1cf: {  	s1 =	rddreg [dreg:$0x1b];
	[sflag:s4] =	ssyncadd.s32 $0xFFFF8400  }
0x1d0: {  	[tilespmem:s6], [sflag:$0x2] =	stream.linear.gather [hbm4b:s1+s2], $0x7C00, $0x38;
	[tilespmem:$0x1F000] =	vst v63  }
0x1d1: {  	_ =	swait.ge [sflag:s21], $0x7C00  }
0x1d2: {  	[sflag:s21] =	ssyncset.done $0x0  }
0x1d3: {  	s1 =	rddreg [dreg:$0x1c];
	[sflag:s21] =	ssyncadd.s32 $0xFFFF8400  }
0x1d4: {  	[hbm4b:s1+s2] =	stream.linear.scatter [tilespmem:s15], [sflag:$0x8], $0x7C00, $0x38;
	[tilespmem:$0x1F000] =	vst v63  }
0x1d5: {  	_ =	swait.ge [sflag:s13], $0x7C00  }
0x1d6: {  	[sflag:s13] =	ssyncset.done $0x0  }
0x1d7: {  	s1 =	rddreg [dreg:$0x1d];
	[sflag:s13] =	ssyncadd.s32 $0xFFFF8400  }
0x1d8: {  	[tilespmem:s19], [sflag:$0x3] =	stream.linear.gather [hbm4b:s1+s2], $0x7C00, $0x38;
	[tilespmem:$0x1F000] =	vst v63  }
0x1d9: {  	_ =	swait.ge [sflag:s11], $0x7C00  }
0x1da: {  	[sflag:s11] =	ssyncset.done $0x0  }
0x1db: {  	s1 =	rddreg [dreg:$0x1e];
	[sflag:s11] =	ssyncadd.s32 $0xFFFF8400  }
0x1dc: {  	[hbm4b:s1+s2] =	stream.linear.scatter [tilespmem:s2], [sflag:$0x5], $0x7C00, $0x38;
	[tilespmem:$0x1F000] =	vst v63  }
0x1dd: {  	_ =	swait.ge [sflag:s12], $0x7C00  }
0x1de: {  	[sflag:s12] =	ssyncset.done $0x0  }
0x1df: {  	s1 =	rddreg [dreg:$0x1f];
	[sflag:s12] =	ssyncadd.s32 $0xFFFF8400  }
0x1e0: {  	[tilespmem:s15], [sflag:$0x4] =	stream.linear.gather [hbm4b:s1+s2], $0x7C00, $0x38;
	[tilespmem:$0x1F000] =	vst v63  }
0x1e1: {  	_ =	swait.ge [sflag:s9], $0x7C00  }
0x1e2: {  	s1 =	sld [smem:$0x7E8]  }
0x1e3: {  	[sflag:s9] =	ssyncset.done $0x0  }
0x1e4: {  	[sflag:s9] =	ssyncadd.s32 $0xFFFF8400  }
0x1e5: {  	[hbm4b:s1+s2] =	stream.linear.scatter [tilespmem:s6], [sflag:$0x6], $0x7C00, $0x38;
	[tilespmem:$0x1F000] =	vst v63  }
0x1e6: {  	_ =	swait.ge [sflag:s5], $0x7C00  }
0x1e7: {  	s1 =	sld [smem:$0x7E9]  }
0x1e8: {  	[sflag:s5] =	ssyncset.done $0x0  }
0x1e9: {  	[sflag:s5] =	ssyncadd.s32 $0xFFFF8400  }
0x1ea: {  	[tilespmem:s2], [sflag:$0x1] =	stream.linear.gather [hbm4b:s1+s2], $0x7C00, $0x38;
	[tilespmem:$0x1F000] =	vst v63  }
0x1eb: {  	_ =	swait.ge [sflag:s24], $0x7C00  }
0x1ec: {  	s1 =	sld [smem:$0x7EA]  }
0x1ed: {  	[sflag:s24] =	ssyncset.done $0x0  }
0x1ee: {  	[sflag:s24] =	ssyncadd.s32 $0xFFFF8400  }
0x1ef: {  	[hbm4b:s1+s2] =	stream.linear.scatter [tilespmem:s19], [sflag:$0x7], $0x7C00, $0x38;
	[tilespmem:$0x1F000] =	vst v63  }
0x1f0: {  	_ =	swait.ge [sflag:s4], $0x7C00  }
0x1f1: {  	s1 =	sld [smem:$0x7EB]  }
0x1f2: {  	[sflag:s4] =	ssyncset.done $0x0  }
0x1f3: {  	[sflag:s4] =	ssyncadd.s32 $0xFFFF8400  }
0x1f4: {  	[tilespmem:s6], [sflag:$0x2] =	stream.linear.gather [hbm4b:s1+s2], $0x7C00, $0x38;
	[tilespmem:$0x1F000] =	vst v63  }
0x1f5: {  	_ =	swait.ge [sflag:s21], $0x7C00  }
0x1f6: {  	s1 =	sld [smem:$0x7EC]  }
0x1f7: {  	[sflag:s21] =	ssyncset.done $0x0  }
0x1f8: {  	[sflag:s21] =	ssyncadd.s32 $0xFFFF8400  }
0x1f9: {  	[hbm4b:s1+s2] =	stream.linear.scatter [tilespmem:s15], [sflag:$0x8], $0x7C00, $0x38;
	[tilespmem:$0x1F000] =	vst v63  }
0x1fa: {  	_ =	swait.ge [sflag:s13], $0x7C00  }
0x1fb: {  	s1 =	sld [smem:$0x7ED]  }
0x1fc: {  	[sflag:s13] =	ssyncset.done $0x0  }
0x1fd: {  	[sflag:s13] =	ssyncadd.s32 $0xFFFF8400  }
0x1fe: {  	[tilespmem:s19], [sflag:$0x3] =	stream.linear.gather [hbm4b:s1+s2], $0x7C00, $0x38;
	[tilespmem:$0x1F000] =	vst v63  }
0x1ff: {  	_ =	swait.ge [sflag:s11], $0x7C00  }
0x200: {  	s1 =	sld [smem:$0x7EE]  }
0x201: {  	[sflag:s11] =	ssyncset.done $0x0  }
0x202: {  	[sflag:s11] =	ssyncadd.s32 $0xFFFF8400  }
0x203: {  	[hbm4b:s1+s2] =	stream.linear.scatter [tilespmem:s2], [sflag:$0x5], $0x7C00, $0x38;
	[tilespmem:$0x1F000] =	vst v63  }
0x204: {  	_ =	swait.ge [sflag:s12], $0x7C00  }
0x205: {  	s1 =	sld [smem:$0x7EF]  }
0x206: {  	[sflag:s12] =	ssyncset.done $0x0  }
0x207: {  	[sflag:s12] =	ssyncadd.s32 $0xFFFF8400  }
0x208: {  	[tilespmem:s15], [sflag:$0x4] =	stream.linear.gather [hbm4b:s1+s2], $0x7C00, $0x38;
	[tilespmem:$0x1F000] =	vst v63  }
0x209: {  	_ =	swait.ge [sflag:s9], $0x7C00  }
0x20a: {  	s1 =	sld [smem:$0x7F0]  }
0x20b: {  	[sflag:s9] =	ssyncset.done $0x0  }
0x20c: {  	[sflag:s9] =	ssyncadd.s32 $0xFFFF8400  }
0x20d: {  	[hbm4b:s1+s2] =	stream.linear.scatter [tilespmem:s6], [sflag:$0x6], $0x7C00, $0x38;
	[tilespmem:$0x1F000] =	vst v63  }
0x20e: {  	_ =	swait.ge [sflag:s5], $0x7C00  }
0x20f: {  	s1 =	sld [smem:$0x7F1]  }
0x210: {  	[sflag:s5] =	ssyncset.done $0x0  }
0x211: {  	[sflag:s5] =	ssyncadd.s32 $0xFFFF8400  }
0x212: {  	[tilespmem:s2], [sflag:$0x1] =	stream.linear.gather [hbm4b:s1+s2], $0x7C00, $0x38;
	[tilespmem:$0x1F000] =	vst v63  }
0x213: {  	_ =	swait.ge [sflag:s24], $0x7C00  }
0x214: {  	s1 =	sld [smem:$0x7F2]  }
0x215: {  	[sflag:s24] =	ssyncset.done $0x0  }
0x216: {  	[sflag:s24] =	ssyncadd.s32 $0xFFFF8400  }
0x217: {  	[hbm4b:s1+s2] =	stream.linear.scatter [tilespmem:s19], [sflag:$0x7], $0x7C00, $0x38;
	[tilespmem:$0x1F000] =	vst v63  }
0x218: {  	_ =	swait.ge [sflag:s4], $0x7C00  }
0x219: {  	s1 =	sld [smem:$0x7F3]  }
0x21a: {  	[sflag:s4] =	ssyncset.done $0x0  }
0x21b: {  	[sflag:s4] =	ssyncadd.s32 $0xFFFF8400  }
0x21c: {  	[tilespmem:s6], [sflag:$0x2] =	stream.linear.gather [hbm4b:s1+s2], $0x7C00, $0x38;
	[tilespmem:$0x1F000] =	vst v63  }
0x21d: {  	_ =	swait.ge [sflag:s21], $0x7C00  }
0x21e: {  	s1 =	sld [smem:$0x7F4]  }
0x21f: {  	[sflag:s21] =	ssyncset.done $0x0  }
0x220: {  	[sflag:s21] =	ssyncadd.s32 $0xFFFF8400  }
0x221: {  	[hbm4b:s1+s2] =	stream.linear.scatter [tilespmem:s15], [sflag:$0x8], $0x7C00, $0x38;
	[tilespmem:$0x1F000] =	vst v63  }
0x222: {  	_ =	swait.ge [sflag:s13], $0x7C00  }
0x223: {  	s1 =	sld [smem:$0x7F5]  }
0x224: {  	[sflag:s13] =	ssyncset.done $0x0  }
0x225: {  	[sflag:s13] =	ssyncadd.s32 $0xFFFF8400  }
0x226: {  	[tilespmem:s19], [sflag:$0x3] =	stream.linear.gather [hbm4b:s1+s2], $0x7C00, $0x38;
	[tilespmem:$0x1F000] =	vst v63  }
0x227: {  	_ =	swait.ge [sflag:s11], $0x7C00  }
0x228: {  	s1 =	sld [smem:$0x7F6]  }
0x229: {  	[sflag:s11] =	ssyncset.done $0x0  }
0x22a: {  	[sflag:s11] =	ssyncadd.s32 $0xFFFF8400  }
0x22b: {  	[hbm4b:s1+s2] =	stream.linear.scatter [tilespmem:s2], [sflag:$0x5], $0x7C00, $0x38;
	[tilespmem:$0x1F000] =	vst v63  }
0x22c: {  	_ =	swait.ge [sflag:s12], $0x7C00  }
0x22d: {  	s1 =	sld [smem:$0x7F7]  }
0x22e: {  	[sflag:s12] =	ssyncset.done $0x0  }
0x22f: {  	[sflag:s12] =	ssyncadd.s32 $0xFFFF8400  }
0x230: {  	[tilespmem:s15], [sflag:$0x4] =	stream.linear.gather [hbm4b:s1+s2], $0x7C00, $0x38;
	[tilespmem:$0x1F000] =	vst v63  }
0x231: {  	_ =	swait.ge [sflag:s9], $0x7C00  }
0x232: {  	s1 =	sld [smem:$0x7F8]  }
0x233: {  	[sflag:s9] =	ssyncset.done $0x0  }
0x234: {  	[sflag:s9] =	ssyncadd.s32 $0xFFFF8400  }
0x235: {  	[hbm4b:s1+s2] =	stream.linear.scatter [tilespmem:s6], [sflag:$0x6], $0x7C00, $0x38;
	[tilespmem:$0x1F000] =	vst v63  }
0x236: {  	_ =	swait.ge [sflag:s5], $0x7C00  }
0x237: {  	s1 =	sld [smem:$0x7F9]  }
0x238: {  	[sflag:s5] =	ssyncset.done $0x0  }
0x239: {  	[sflag:s5] =	ssyncadd.s32 $0xFFFF8400  }
0x23a: {  	[tilespmem:s2], [sflag:$0x1] =	stream.linear.gather [hbm4b:s1+s2], $0x7C00, $0x38;
	[tilespmem:$0x1F000] =	vst v63  }
0x23b: {  	_ =	swait.ge [sflag:s24], $0x7C00  }
0x23c: {  	s1 =	sld [smem:$0x7FA]  }
0x23d: {  	[sflag:s24] =	ssyncset.done $0x0  }
0x23e: {  	[sflag:s24] =	ssyncadd.s32 $0xFFFF8400  }
0x23f: {  	[hbm4b:s1+s2] =	stream.linear.scatter [tilespmem:s19], [sflag:$0x7], $0x7C00, $0x38;
	[tilespmem:$0x1F000] =	vst v63  }
0x240: {  	_ =	swait.ge [sflag:s4], $0x7C00  }
0x241: {  	s1 =	sld [smem:$0x7FB]  }
0x242: {  	[sflag:s4] =	ssyncset.done $0x0  }
0x243: {  	[sflag:s4] =	ssyncadd.s32 $0xFFFF8400  }
0x244: {  	[tilespmem:s6], [sflag:$0x2] =	stream.linear.gather [hbm4b:s1+s2], $0x7C00, $0x38;
	[tilespmem:$0x1F000] =	vst v63  }
0x245: {  	_ =	swait.ge [sflag:s21], $0x7C00  }
0x246: {  	s1 =	sld [smem:$0x7FC]  }
0x247: {  	[sflag:s21] =	ssyncset.done $0x0  }
0x248: {  	[sflag:s21] =	ssyncadd.s32 $0xFFFF8400  }
0x249: {  	[hbm4b:s1+s2] =	stream.linear.scatter [tilespmem:s15], [sflag:$0x8], $0x7C00, $0x38;
	[tilespmem:$0x1F000] =	vst v63  }
0x24a: {  	_ =	swait.ge [sflag:s13], $0x7C00  }
0x24b: {  	s1 =	sld [smem:$0x7FD]  }
0x24c: {  	[sflag:s13] =	ssyncset.done $0x0  }
0x24d: {  	[sflag:s13] =	ssyncadd.s32 $0xFFFF8400  }
0x24e: {  	[tilespmem:s19], [sflag:$0x3] =	stream.linear.gather [hbm4b:s1+s2], $0x7C00, $0x38;
	[tilespmem:$0x1F000] =	vst v63  }
0x24f: {  	_ =	swait.ge [sflag:s11], $0x7C00  }
0x250: {  	[sflag:s11] =	ssyncset.done $0x0  }
0x251: {  	[sflag:s11] =	ssyncadd.s32 $0xFFFF8400  }
0x252: {  	[hbm4b:s31+s2] =	stream.linear.scatter [tilespmem:s2], [sflag:$0x5], $0x7C00, $0x38;
	[tilespmem:$0x1F000] =	vst v63  }
0x253: {  	_ =	swait.ge [sflag:s12], $0x7C00  }
0x254: {  	[sflag:s12] =	ssyncset.done $0x0  }
0x255: {  	[sflag:s12] =	ssyncadd.s32 $0xFFFF8400  }
0x256: {  	[tilespmem:s15], [sflag:$0x4] =	stream.linear.gather [hbm4b:s30+s2], $0x7C00, $0x38;
	[tilespmem:$0x1F000] =	vst v63  }
0x257: {  	_ =	swait.ge [sflag:s9], $0x7C00  }
0x258: {  	[sflag:s9] =	ssyncset.done $0x0  }
0x259: {  	[sflag:s9] =	ssyncadd.s32 $0xFFFF8400  }
0x25a: {  	[hbm4b:s29+s2] =	stream.linear.scatter [tilespmem:s6], [sflag:$0x6], $0x7C00, $0x38;
	[tilespmem:$0x1F000] =	vst v63  }
0x25b: {  	_ =	swait.ge [sflag:s5], $0x7C00  }
0x25c: {  	[sflag:s5] =	ssyncset.done $0x0  }
0x25d: {  	[sflag:s5] =	ssyncadd.s32 $0xFFFF8400  }
0x25e: {  	[tilespmem:s2], [sflag:$0x1] =	stream.linear.gather [hbm4b:s28+s2], $0x7C00, $0x38;
	[tilespmem:$0x1F000] =	vst v63  }
0x25f: {  	_ =	swait.ge [sflag:s24], $0x7C00  }
0x260: {  	[sflag:s24] =	ssyncset.done $0x0  }
0x261: {  	[sflag:s24] =	ssyncadd.s32 $0xFFFF8400  }
0x262: {  	[hbm4b:s26+s2] =	stream.linear.scatter [tilespmem:s19], [sflag:$0x7], $0x7C00, $0x38;
	[tilespmem:$0x1F000] =	vst v63  }
0x263: {  	_ =	swait.ge [sflag:s4], $0x7C00  }
0x264: {  	[sflag:s4] =	ssyncset.done $0x0  }
0x265: {  	[sflag:s4] =	ssyncadd.s32 $0xFFFF8400  }
0x266: {  	[tilespmem:s6], [sflag:$0x2] =	stream.linear.gather [hbm4b:s25+s2], $0x7C00, $0x38;
	[tilespmem:$0x1F000] =	vst v63  }
0x267: {  	_ =	swait.ge [sflag:s21], $0x7C00  }
0x268: {  	[sflag:s21] =	ssyncset.done $0x0  }
0x269: {  	[sflag:s21] =	ssyncadd.s32 $0xFFFF8400  }
0x26a: {  	[hbm4b:s23+s2] =	stream.linear.scatter [tilespmem:s15], [sflag:$0x8], $0x7C00, $0x38;
	[tilespmem:$0x1F000] =	vst v63  }
0x26b: {  	_ =	swait.ge [sflag:s13], $0x7C00  }
0x26c: {  	[sflag:s13] =	ssyncset.done $0x0  }
0x26d: {  	[sflag:s13] =	ssyncadd.s32 $0xFFFF8400  }
0x26e: {  	[tilespmem:s19], [sflag:$0x3] =	stream.linear.gather [hbm4b:s22+s2], $0x7C00, $0x38;
	[tilespmem:$0x1F000] =	vst v63  }
0x26f: {  	_ =	swait.ge [sflag:s11], $0x7C00  }
0x270: {  	[sflag:s11] =	ssyncset.done $0x0  }
0x271: {  	[sflag:s11] =	ssyncadd.s32 $0xFFFF8400  }
0x272: {  	[hbm4b:s20+s2] =	stream.linear.scatter [tilespmem:s2], [sflag:$0x5], $0x7C00, $0x38;
	[tilespmem:$0x1F000] =	vst v63  }
0x273: {  	_ =	swait.ge [sflag:s12], $0x7C00  }
0x274: {  	[sflag:s12] =	ssyncset.done $0x0  }
0x275: {  	[sflag:s12] =	ssyncadd.s32 $0xFFFF8400  }
0x276: {  	[tilespmem:s15], [sflag:$0x4] =	stream.linear.gather [hbm4b:s18+s2], $0x7C00, $0x38;
	[tilespmem:$0x1F000] =	vst v63  }
0x277: {  	_ =	swait.ge [sflag:s9], $0x7C00  }
0x278: {  	[sflag:s9] =	ssyncset.done $0x0  }
0x279: {  	[sflag:s9] =	ssyncadd.s32 $0xFFFF8400  }
0x27a: {  	[hbm4b:s17+s2] =	stream.linear.scatter [tilespmem:s6], [sflag:$0x6], $0x7C00, $0x38;
	[tilespmem:$0x1F000] =	vst v63  }
0x27b: {  	_ =	swait.ge [sflag:s5], $0x7C00  }
0x27c: {  	[sflag:s5] =	ssyncset.done $0x0  }
0x27d: {  	[sflag:s5] =	ssyncadd.s32 $0xFFFF8400  }
0x27e: {  	[tilespmem:s2], [sflag:$0x1] =	stream.linear.gather [hbm4b:s16+s2], $0x7C00, $0x38;
	[tilespmem:$0x1F000] =	vst v63  }
0x27f: {  	_ =	swait.ge [sflag:s24], $0x7C00  }
0x280: {  	[sflag:s24] =	ssyncset.done $0x0  }
0x281: {  	[sflag:s24] =	ssyncadd.s32 $0xFFFF8400  }
0x282: {  	[hbm4b:s14+s2] =	stream.linear.scatter [tilespmem:s19], [sflag:$0x7], $0x7C00, $0x38;
	[tilespmem:$0x1F000] =	vst v63  }
0x283: {  	_ =	swait.ge [sflag:s4], $0x7C00  }
0x284: {  	[sflag:s4] =	ssyncset.done $0x0  }
0x285: {  	[sflag:s4] =	ssyncadd.s32 $0xFFFF8400  }
0x286: {  	[tilespmem:s6], [sflag:$0x2] =	stream.linear.gather [hbm4b:s10+s2], $0x400, $0x38;
	[tilespmem:$0x1F000] =	vst v63  }
0x287: {  	_ =	swait.ge [sflag:s21], $0x7C00  }
0x288: {  	[sflag:s21] =	ssyncset.done $0x0  }
0x289: {  	[sflag:s21] =	ssyncadd.s32 $0xFFFF8400  }
0x28a: {  	[hbm4b:s8+s2] =	stream.linear.scatter [tilespmem:s15], [sflag:$0x8], $0x7C00, $0x38;
	[tilespmem:$0x1F000] =	vst v63  }
0x28b: {  	_ =	swait.ge [sflag:s11], $0x7C00  }
0x28c: {  	[sflag:s11] =	ssyncset.done $0x0  }
0x28d: {  	[sflag:s11] =	ssyncadd.s32 $0xFFFF8400  }
0x28e: {  	[hbm4b:s7+s2] =	stream.linear.scatter [tilespmem:s2], [sflag:$0x5], $0x7C00, $0x38;
	[tilespmem:$0x1F000] =	vst v63  }
0x28f: {  	_ =	swait.ge [sflag:s9], $0x400  }
0x290: {  	[sflag:s9] =	ssyncset.done $0x0  }
0x291: {  	[sflag:s9] =	ssyncadd.s32 $0xFFFFFC00  }
0x292: {  	[hbm4b:s3+s2] =	stream.linear.scatter [tilespmem:s6], [sflag:$0x6], $0x400, $0x38;
	[tilespmem:$0x1F000] =	vst v63  }
0x293: {  	_ =	swait.ge [sflag:s13], $0x7C00  }
0x294: {  	[sflag:s13] =	ssyncset.done $0x0  }
0x295: {  	[sflag:s13] =	ssyncadd.s32 $0xFFFF8400  }
0x296: {  	_ =	swait.ge [sflag:s12], $0x7C00  }
0x297: {  	[sflag:s12] =	ssyncset.done $0x0  }
0x298: {  	p1 =	sne.s32 s0, $0x1;
	[sflag:s12] =	ssyncadd.s32 $0xFFFF8400  }
.Ltmp2:
0x299: {  	_ =	swait.ge [sflag:s5], $0x7C00;
	(pc) =	sbr.rel @p1 .LBB2_2-.Ltmp2, $4  }
0x29a: {  	[sflag:s5] =	ssyncset.done $0x0  }
0x29b: {  	[sflag:s5] =	ssyncadd.s32 $0xFFFF8400  }
0x29c: {  	_ =	swait.ge [sflag:s4], $0x400  }
0x29d: {  	s0 =	sadd.s32 $0xFFFFFFFF, s0;
	s1 =	rddreg [dreg:$0x3];
	[sflag:s4] =	ssyncset.done $0x0  }
.LBB2_3:
0x29e: {  	[sflag:s4] =	ssyncadd.s32 @p0 $0xFFFFFC00  }
0x29f: {  	[tilespmem:s2], [sflag:$0x1] =	stream.linear.gather [hbm4b:s1+s2], $0x7C00, $0x38;
	[tilespmem:$0x1F000] =	vst v63  }
0x2a0: {  	s0 =	rddreg [dreg:$0x4]  }
0x2a1: {  	[tilespmem:s6], [sflag:$0x2] =	stream.linear.gather [hbm4b:s0+s2], $0x7C00, $0x38;
	[tilespmem:$0x1F000] =	vst v63  }
0x2a2: {  	s1 =	rddreg [dreg:$0x5]  }
0x2a3: {  	[tilespmem:s19], [sflag:$0x3] =	stream.linear.gather [hbm4b:s1+s2], $0x7C00, $0x38;
	[tilespmem:$0x1F000] =	vst v63  }
0x2a4: {  	_ =	swait.ge [sflag:s11], $0x7C00  }
0x2a5: {  	[sflag:s11] =	ssyncset.done $0x0  }
0x2a6: {  	s0 =	rddreg [dreg:$0x6];
	[sflag:s11] =	ssyncadd.s32 $0xFFFF8400  }
0x2a7: {  	[hbm4b:s0+s2] =	stream.linear.scatter [tilespmem:s2], [sflag:$0x5], $0x7C00, $0x38;
	[tilespmem:$0x1F000] =	vst v63  }
0x2a8: {  	s1 =	rddreg [dreg:$0x7]  }
0x2a9: {  	[tilespmem:s15], [sflag:$0x4] =	stream.linear.gather [hbm4b:s1+s2], $0x7C00, $0x38;
	[tilespmem:$0x1F000] =	vst v63  }
0x2aa: {  	_ =	swait.ge [sflag:s9], $0x7C00  }
0x2ab: {  	[sflag:s9] =	ssyncset.done $0x0  }
0x2ac: {  	s1 =	rddreg [dreg:$0x8];
	[sflag:s9] =	ssyncadd.s32 $0xFFFF8400  }
0x2ad: {  	[hbm4b:s1+s2] =	stream.linear.scatter [tilespmem:s6], [sflag:$0x6], $0x7C00, $0x38;
	[tilespmem:$0x1F000] =	vst v63  }
0x2ae: {  	_ =	swait.ge [sflag:s5], $0x7C00  }
0x2af: {  	[sflag:s5] =	ssyncset.done $0x0  }
0x2b0: {  	s1 =	rddreg [dreg:$0x9];
	[sflag:s5] =	ssyncadd.s32 $0xFFFF8400  }
0x2b1: {  	[tilespmem:s2], [sflag:$0x1] =	stream.linear.gather [hbm4b:s1+s2], $0x7C00, $0x38;
	[tilespmem:$0x1F000] =	vst v63  }
0x2b2: {  	_ =	swait.ge [sflag:s24], $0x7C00  }
0x2b3: {  	[sflag:s24] =	ssyncset.done $0x0  }
0x2b4: {  	s1 =	rddreg [dreg:$0xa];
	[sflag:s24] =	ssyncadd.s32 $0xFFFF8400  }
0x2b5: {  	[hbm4b:s1+s2] =	stream.linear.scatter [tilespmem:s19], [sflag:$0x7], $0x7C00, $0x38;
	[tilespmem:$0x1F000] =	vst v63  }
0x2b6: {  	_ =	swait.ge [sflag:s4], $0x7C00  }
0x2b7: {  	[sflag:s4] =	ssyncset.done $0x0  }
0x2b8: {  	s1 =	rddreg [dreg:$0xb];
	[sflag:s4] =	ssyncadd.s32 $0xFFFF8400  }
0x2b9: {  	[tilespmem:s6], [sflag:$0x2] =	stream.linear.gather [hbm4b:s1+s2], $0x7C00, $0x38;
	[tilespmem:$0x1F000] =	vst v63  }
0x2ba: {  	_ =	swait.ge [sflag:s21], $0x7C00  }
0x2bb: {  	[sflag:s21] =	ssyncset.done $0x0  }
0x2bc: {  	s1 =	rddreg [dreg:$0xc];
	[sflag:s21] =	ssyncadd.s32 $0xFFFF8400  }
0x2bd: {  	[hbm4b:s1+s2] =	stream.linear.scatter [tilespmem:s15], [sflag:$0x8], $0x7C00, $0x38;
	[tilespmem:$0x1F000] =	vst v63  }
0x2be: {  	_ =	swait.ge [sflag:s13], $0x7C00  }
0x2bf: {  	[sflag:s13] =	ssyncset.done $0x0  }
0x2c0: {  	s1 =	rddreg [dreg:$0xd];
	[sflag:s13] =	ssyncadd.s32 $0xFFFF8400  }
0x2c1: {  	[tilespmem:s19], [sflag:$0x3] =	stream.linear.gather [hbm4b:s1+s2], $0x7C00, $0x38;
	[tilespmem:$0x1F000] =	vst v63  }
0x2c2: {  	_ =	swait.ge [sflag:s11], $0x7C00  }
0x2c3: {  	[sflag:s11] =	ssyncset.done $0x0  }
0x2c4: {  	s1 =	rddreg [dreg:$0xe];
	[sflag:s11] =	ssyncadd.s32 $0xFFFF8400  }
0x2c5: {  	[hbm4b:s1+s2] =	stream.linear.scatter [tilespmem:s2], [sflag:$0x5], $0x7C00, $0x38;
	[tilespmem:$0x1F000] =	vst v63  }
0x2c6: {  	_ =	swait.ge [sflag:s12], $0x7C00  }
0x2c7: {  	[sflag:s12] =	ssyncset.done $0x0  }
0x2c8: {  	s1 =	rddreg [dreg:$0xf];
	[sflag:s12] =	ssyncadd.s32 $0xFFFF8400  }
0x2c9: {  	[tilespmem:s15], [sflag:$0x4] =	stream.linear.gather [hbm4b:s1+s2], $0x7C00, $0x38;
	[tilespmem:$0x1F000] =	vst v63  }
0x2ca: {  	_ =	swait.ge [sflag:s9], $0x7C00  }
0x2cb: {  	[sflag:s9] =	ssyncset.done $0x0  }
0x2cc: {  	s1 =	rddreg [dreg:$0x10];
	[sflag:s9] =	ssyncadd.s32 $0xFFFF8400  }
0x2cd: {  	[hbm4b:s1+s2] =	stream.linear.scatter [tilespmem:s6], [sflag:$0x6], $0x7C00, $0x38;
	[tilespmem:$0x1F000] =	vst v63  }
0x2ce: {  	_ =	swait.ge [sflag:s5], $0x7C00  }
0x2cf: {  	[sflag:s5] =	ssyncset.done $0x0  }
0x2d0: {  	s1 =	rddreg [dreg:$0x11];
	[sflag:s5] =	ssyncadd.s32 $0xFFFF8400  }
0x2d1: {  	[tilespmem:s2], [sflag:$0x1] =	stream.linear.gather [hbm4b:s1+s2], $0x7C00, $0x38;
	[tilespmem:$0x1F000] =	vst v63  }
0x2d2: {  	_ =	swait.ge [sflag:s24], $0x7C00  }
0x2d3: {  	[sflag:s24] =	ssyncset.done $0x0  }
0x2d4: {  	s1 =	rddreg [dreg:$0x12];
	[sflag:s24] =	ssyncadd.s32 $0xFFFF8400  }
0x2d5: {  	[hbm4b:s1+s2] =	stream.linear.scatter [tilespmem:s19], [sflag:$0x7], $0x7C00, $0x38;
	[tilespmem:$0x1F000] =	vst v63  }
0x2d6: {  	_ =	swait.ge [sflag:s4], $0x7C00  }
0x2d7: {  	[sflag:s4] =	ssyncset.done $0x0  }
0x2d8: {  	s1 =	rddreg [dreg:$0x13];
	[sflag:s4] =	ssyncadd.s32 $0xFFFF8400  }
0x2d9: {  	[tilespmem:s6], [sflag:$0x2] =	stream.linear.gather [hbm4b:s1+s2], $0x7C00, $0x38;
	[tilespmem:$0x1F000] =	vst v63  }
0x2da: {  	_ =	swait.ge [sflag:s21], $0x7C00  }
0x2db: {  	[sflag:s21] =	ssyncset.done $0x0  }
0x2dc: {  	s1 =	rddreg [dreg:$0x14];
	[sflag:s21] =	ssyncadd.s32 $0xFFFF8400  }
0x2dd: {  	[hbm4b:s1+s2] =	stream.linear.scatter [tilespmem:s15], [sflag:$0x8], $0x7C00, $0x38;
	[tilespmem:$0x1F000] =	vst v63  }
0x2de: {  	_ =	swait.ge [sflag:s13], $0x7C00  }
0x2df: {  	[sflag:s13] =	ssyncset.done $0x0  }
0x2e0: {  	s1 =	rddreg [dreg:$0x15];
	[sflag:s13] =	ssyncadd.s32 $0xFFFF8400  }
0x2e1: {  	[tilespmem:s19], [sflag:$0x3] =	stream.linear.gather [hbm4b:s1+s2], $0x7C00, $0x38;
	[tilespmem:$0x1F000] =	vst v63  }
0x2e2: {  	_ =	swait.ge [sflag:s11], $0x7C00  }
0x2e3: {  	[sflag:s11] =	ssyncset.done $0x0  }
0x2e4: {  	s1 =	rddreg [dreg:$0x16];
	[sflag:s11] =	ssyncadd.s32 $0xFFFF8400  }
0x2e5: {  	[hbm4b:s1+s2] =	stream.linear.scatter [tilespmem:s2], [sflag:$0x5], $0x7C00, $0x38;
	[tilespmem:$0x1F000] =	vst v63  }
0x2e6: {  	_ =	swait.ge [sflag:s12], $0x7C00  }
0x2e7: {  	[sflag:s12] =	ssyncset.done $0x0  }
0x2e8: {  	s1 =	rddreg [dreg:$0x17];
	[sflag:s12] =	ssyncadd.s32 $0xFFFF8400  }
0x2e9: {  	[tilespmem:s15], [sflag:$0x4] =	stream.linear.gather [hbm4b:s1+s2], $0x7C00, $0x38;
	[tilespmem:$0x1F000] =	vst v63  }
0x2ea: {  	_ =	swait.ge [sflag:s9], $0x7C00  }
0x2eb: {  	[sflag:s9] =	ssyncset.done $0x0  }
0x2ec: {  	s1 =	rddreg [dreg:$0x18];
	[sflag:s9] =	ssyncadd.s32 $0xFFFF8400  }
0x2ed: {  	[hbm4b:s1+s2] =	stream.linear.scatter [tilespmem:s6], [sflag:$0x6], $0x7C00, $0x38;
	[tilespmem:$0x1F000] =	vst v63  }
0x2ee: {  	_ =	swait.ge [sflag:s5], $0x7C00  }
0x2ef: {  	[sflag:s5] =	ssyncset.done $0x0  }
0x2f0: {  	s1 =	rddreg [dreg:$0x19];
	[sflag:s5] =	ssyncadd.s32 $0xFFFF8400  }
0x2f1: {  	[tilespmem:s2], [sflag:$0x1] =	stream.linear.gather [hbm4b:s1+s2], $0x7C00, $0x38;
	[tilespmem:$0x1F000] =	vst v63  }
0x2f2: {  	_ =	swait.ge [sflag:s24], $0x7C00  }
0x2f3: {  	[sflag:s24] =	ssyncset.done $0x0  }
0x2f4: {  	s1 =	rddreg [dreg:$0x1a];
	[sflag:s24] =	ssyncadd.s32 $0xFFFF8400  }
0x2f5: {  	[hbm4b:s1+s2] =	stream.linear.scatter [tilespmem:s19], [sflag:$0x7], $0x7C00, $0x38;
	[tilespmem:$0x1F000] =	vst v63  }
0x2f6: {  	_ =	swait.ge [sflag:s4], $0x7C00  }
0x2f7: {  	[sflag:s4] =	ssyncset.done $0x0  }
0x2f8: {  	s1 =	rddreg [dreg:$0x1b];
	[sflag:s4] =	ssyncadd.s32 $0xFFFF8400  }
0x2f9: {  	[tilespmem:s6], [sflag:$0x2] =	stream.linear.gather [hbm4b:s1+s2], $0x7C00, $0x38;
	[tilespmem:$0x1F000] =	vst v63  }
0x2fa: {  	_ =	swait.ge [sflag:s21], $0x7C00  }
0x2fb: {  	[sflag:s21] =	ssyncset.done $0x0  }
0x2fc: {  	s1 =	rddreg [dreg:$0x1c];
	[sflag:s21] =	ssyncadd.s32 $0xFFFF8400  }
0x2fd: {  	[hbm4b:s1+s2] =	stream.linear.scatter [tilespmem:s15], [sflag:$0x8], $0x7C00, $0x38;
	[tilespmem:$0x1F000] =	vst v63  }
0x2fe: {  	_ =	swait.ge [sflag:s13], $0x7C00  }
0x2ff: {  	[sflag:s13] =	ssyncset.done $0x0  }
0x300: {  	s1 =	rddreg [dreg:$0x1d];
	[sflag:s13] =	ssyncadd.s32 $0xFFFF8400  }
0x301: {  	[tilespmem:s19], [sflag:$0x3] =	stream.linear.gather [hbm4b:s1+s2], $0x7C00, $0x38;
	[tilespmem:$0x1F000] =	vst v63  }
0x302: {  	_ =	swait.ge [sflag:s11], $0x7C00  }
0x303: {  	[sflag:s11] =	ssyncset.done $0x0  }
0x304: {  	s1 =	rddreg [dreg:$0x1e];
	[sflag:s11] =	ssyncadd.s32 $0xFFFF8400  }
0x305: {  	[hbm4b:s1+s2] =	stream.linear.scatter [tilespmem:s2], [sflag:$0x5], $0x7C00, $0x38;
	[tilespmem:$0x1F000] =	vst v63  }
0x306: {  	_ =	swait.ge [sflag:s12], $0x7C00  }
0x307: {  	[sflag:s12] =	ssyncset.done $0x0  }
0x308: {  	s1 =	rddreg [dreg:$0x1f];
	[sflag:s12] =	ssyncadd.s32 $0xFFFF8400  }
0x309: {  	[tilespmem:s15], [sflag:$0x4] =	stream.linear.gather [hbm4b:s1+s2], $0x7C00, $0x38;
	[tilespmem:$0x1F000] =	vst v63  }
0x30a: {  	_ =	swait.ge [sflag:s9], $0x7C00  }
0x30b: {  	s1 =	sld [smem:$0x7E8]  }
0x30c: {  	[sflag:s9] =	ssyncset.done $0x0  }
0x30d: {  	[sflag:s9] =	ssyncadd.s32 $0xFFFF8400  }
0x30e: {  	[hbm4b:s1+s2] =	stream.linear.scatter [tilespmem:s6], [sflag:$0x6], $0x7C00, $0x38;
	[tilespmem:$0x1F000] =	vst v63  }
0x30f: {  	_ =	swait.ge [sflag:s5], $0x7C00  }
0x310: {  	s1 =	sld [smem:$0x7E9]  }
0x311: {  	[sflag:s5] =	ssyncset.done $0x0  }
0x312: {  	[sflag:s5] =	ssyncadd.s32 $0xFFFF8400  }
0x313: {  	[tilespmem:s2], [sflag:$0x1] =	stream.linear.gather [hbm4b:s1+s2], $0x7C00, $0x38;
	[tilespmem:$0x1F000] =	vst v63  }
0x314: {  	_ =	swait.ge [sflag:s24], $0x7C00  }
0x315: {  	s1 =	sld [smem:$0x7EA]  }
0x316: {  	[sflag:s24] =	ssyncset.done $0x0  }
0x317: {  	[sflag:s24] =	ssyncadd.s32 $0xFFFF8400  }
0x318: {  	[hbm4b:s1+s2] =	stream.linear.scatter [tilespmem:s19], [sflag:$0x7], $0x7C00, $0x38;
	[tilespmem:$0x1F000] =	vst v63  }
0x319: {  	_ =	swait.ge [sflag:s4], $0x7C00  }
0x31a: {  	s1 =	sld [smem:$0x7EB]  }
0x31b: {  	[sflag:s4] =	ssyncset.done $0x0  }
0x31c: {  	[sflag:s4] =	ssyncadd.s32 $0xFFFF8400  }
0x31d: {  	[tilespmem:s6], [sflag:$0x2] =	stream.linear.gather [hbm4b:s1+s2], $0x7C00, $0x38;
	[tilespmem:$0x1F000] =	vst v63  }
0x31e: {  	_ =	swait.ge [sflag:s21], $0x7C00  }
0x31f: {  	s1 =	sld [smem:$0x7EC]  }
0x320: {  	[sflag:s21] =	ssyncset.done $0x0  }
0x321: {  	[sflag:s21] =	ssyncadd.s32 $0xFFFF8400  }
0x322: {  	[hbm4b:s1+s2] =	stream.linear.scatter [tilespmem:s15], [sflag:$0x8], $0x7C00, $0x38;
	[tilespmem:$0x1F000] =	vst v63  }
0x323: {  	_ =	swait.ge [sflag:s13], $0x7C00  }
0x324: {  	s1 =	sld [smem:$0x7ED]  }
0x325: {  	[sflag:s13] =	ssyncset.done $0x0  }
0x326: {  	[sflag:s13] =	ssyncadd.s32 $0xFFFF8400  }
0x327: {  	[tilespmem:s19], [sflag:$0x3] =	stream.linear.gather [hbm4b:s1+s2], $0x7C00, $0x38;
	[tilespmem:$0x1F000] =	vst v63  }
0x328: {  	_ =	swait.ge [sflag:s11], $0x7C00  }
0x329: {  	s1 =	sld [smem:$0x7EE]  }
0x32a: {  	[sflag:s11] =	ssyncset.done $0x0  }
0x32b: {  	[sflag:s11] =	ssyncadd.s32 $0xFFFF8400  }
0x32c: {  	[hbm4b:s1+s2] =	stream.linear.scatter [tilespmem:s2], [sflag:$0x5], $0x7C00, $0x38;
	[tilespmem:$0x1F000] =	vst v63  }
0x32d: {  	_ =	swait.ge [sflag:s12], $0x7C00  }
0x32e: {  	s1 =	sld [smem:$0x7EF]  }
0x32f: {  	[sflag:s12] =	ssyncset.done $0x0  }
0x330: {  	[sflag:s12] =	ssyncadd.s32 $0xFFFF8400  }
0x331: {  	[tilespmem:s15], [sflag:$0x4] =	stream.linear.gather [hbm4b:s1+s2], $0x7C00, $0x38;
	[tilespmem:$0x1F000] =	vst v63  }
0x332: {  	_ =	swait.ge [sflag:s9], $0x7C00  }
0x333: {  	s1 =	sld [smem:$0x7F0]  }
0x334: {  	[sflag:s9] =	ssyncset.done $0x0  }
0x335: {  	[sflag:s9] =	ssyncadd.s32 $0xFFFF8400  }
0x336: {  	[hbm4b:s1+s2] =	stream.linear.scatter [tilespmem:s6], [sflag:$0x6], $0x7C00, $0x38;
	[tilespmem:$0x1F000] =	vst v63  }
0x337: {  	_ =	swait.ge [sflag:s5], $0x7C00  }
0x338: {  	s1 =	sld [smem:$0x7F1]  }
0x339: {  	[sflag:s5] =	ssyncset.done $0x0  }
0x33a: {  	[sflag:s5] =	ssyncadd.s32 $0xFFFF8400  }
0x33b: {  	[tilespmem:s2], [sflag:$0x1] =	stream.linear.gather [hbm4b:s1+s2], $0x7C00, $0x38;
	[tilespmem:$0x1F000] =	vst v63  }
0x33c: {  	_ =	swait.ge [sflag:s24], $0x7C00  }
0x33d: {  	s1 =	sld [smem:$0x7F2]  }
0x33e: {  	[sflag:s24] =	ssyncset.done $0x0  }
0x33f: {  	[sflag:s24] =	ssyncadd.s32 $0xFFFF8400  }
0x340: {  	[hbm4b:s1+s2] =	stream.linear.scatter [tilespmem:s19], [sflag:$0x7], $0x7C00, $0x38;
	[tilespmem:$0x1F000] =	vst v63  }
0x341: {  	_ =	swait.ge [sflag:s4], $0x7C00  }
0x342: {  	s1 =	sld [smem:$0x7F3]  }
0x343: {  	[sflag:s4] =	ssyncset.done $0x0  }
0x344: {  	[sflag:s4] =	ssyncadd.s32 $0xFFFF8400  }
0x345: {  	[tilespmem:s6], [sflag:$0x2] =	stream.linear.gather [hbm4b:s1+s2], $0x7C00, $0x38;
	[tilespmem:$0x1F000] =	vst v63  }
0x346: {  	_ =	swait.ge [sflag:s21], $0x7C00  }
0x347: {  	s1 =	sld [smem:$0x7F4]  }
0x348: {  	[sflag:s21] =	ssyncset.done $0x0  }
0x349: {  	[sflag:s21] =	ssyncadd.s32 $0xFFFF8400  }
0x34a: {  	[hbm4b:s1+s2] =	stream.linear.scatter [tilespmem:s15], [sflag:$0x8], $0x7C00, $0x38;
	[tilespmem:$0x1F000] =	vst v63  }
0x34b: {  	_ =	swait.ge [sflag:s13], $0x7C00  }
0x34c: {  	s1 =	sld [smem:$0x7F5]  }
0x34d: {  	[sflag:s13] =	ssyncset.done $0x0  }
0x34e: {  	[sflag:s13] =	ssyncadd.s32 $0xFFFF8400  }
0x34f: {  	[tilespmem:s19], [sflag:$0x3] =	stream.linear.gather [hbm4b:s1+s2], $0x7C00, $0x38;
	[tilespmem:$0x1F000] =	vst v63  }
0x350: {  	_ =	swait.ge [sflag:s11], $0x7C00  }
0x351: {  	s1 =	sld [smem:$0x7F6]  }
0x352: {  	[sflag:s11] =	ssyncset.done $0x0  }
0x353: {  	[sflag:s11] =	ssyncadd.s32 $0xFFFF8400  }
0x354: {  	[hbm4b:s1+s2] =	stream.linear.scatter [tilespmem:s2], [sflag:$0x5], $0x7C00, $0x38;
	[tilespmem:$0x1F000] =	vst v63  }
0x355: {  	_ =	swait.ge [sflag:s12], $0x7C00  }
0x356: {  	s1 =	sld [smem:$0x7F7]  }
0x357: {  	[sflag:s12] =	ssyncset.done $0x0  }
0x358: {  	[sflag:s12] =	ssyncadd.s32 $0xFFFF8400  }
0x359: {  	[tilespmem:s15], [sflag:$0x4] =	stream.linear.gather [hbm4b:s1+s2], $0x7C00, $0x38;
	[tilespmem:$0x1F000] =	vst v63  }
0x35a: {  	_ =	swait.ge [sflag:s9], $0x7C00  }
0x35b: {  	s1 =	sld [smem:$0x7F8]  }
0x35c: {  	[sflag:s9] =	ssyncset.done $0x0  }
0x35d: {  	[sflag:s9] =	ssyncadd.s32 $0xFFFF8400  }
0x35e: {  	[hbm4b:s1+s2] =	stream.linear.scatter [tilespmem:s6], [sflag:$0x6], $0x7C00, $0x38;
	[tilespmem:$0x1F000] =	vst v63  }
0x35f: {  	_ =	swait.ge [sflag:s5], $0x7C00  }
0x360: {  	s1 =	sld [smem:$0x7F9]  }
0x361: {  	[sflag:s5] =	ssyncset.done $0x0  }
0x362: {  	[sflag:s5] =	ssyncadd.s32 $0xFFFF8400  }
0x363: {  	[tilespmem:s2], [sflag:$0x1] =	stream.linear.gather [hbm4b:s1+s2], $0x7C00, $0x38;
	[tilespmem:$0x1F000] =	vst v63  }
0x364: {  	_ =	swait.ge [sflag:s24], $0x7C00  }
0x365: {  	s1 =	sld [smem:$0x7FA]  }
0x366: {  	[sflag:s24] =	ssyncset.done $0x0  }
0x367: {  	[sflag:s24] =	ssyncadd.s32 $0xFFFF8400  }
0x368: {  	[hbm4b:s1+s2] =	stream.linear.scatter [tilespmem:s19], [sflag:$0x7], $0x7C00, $0x38;
	[tilespmem:$0x1F000] =	vst v63  }
0x369: {  	_ =	swait.ge [sflag:s4], $0x7C00  }
0x36a: {  	s1 =	sld [smem:$0x7FB]  }
0x36b: {  	[sflag:s4] =	ssyncset.done $0x0  }
0x36c: {  	[sflag:s4] =	ssyncadd.s32 $0xFFFF8400  }
0x36d: {  	[tilespmem:s6], [sflag:$0x2] =	stream.linear.gather [hbm4b:s1+s2], $0x7C00, $0x38;
	[tilespmem:$0x1F000] =	vst v63  }
0x36e: {  	_ =	swait.ge [sflag:s21], $0x7C00  }
0x36f: {  	s1 =	sld [smem:$0x7FC]  }
0x370: {  	[sflag:s21] =	ssyncset.done $0x0  }
0x371: {  	[sflag:s21] =	ssyncadd.s32 $0xFFFF8400  }
0x372: {  	[hbm4b:s1+s2] =	stream.linear.scatter [tilespmem:s15], [sflag:$0x8], $0x7C00, $0x38;
	[tilespmem:$0x1F000] =	vst v63  }
0x373: {  	_ =	swait.ge [sflag:s13], $0x7C00  }
0x374: {  	s1 =	sld [smem:$0x7FD]  }
0x375: {  	[sflag:s13] =	ssyncset.done $0x0  }
0x376: {  	[sflag:s13] =	ssyncadd.s32 $0xFFFF8400  }
0x377: {  	[tilespmem:s19], [sflag:$0x3] =	stream.linear.gather [hbm4b:s1+s2], $0x7C00, $0x38;
	[tilespmem:$0x1F000] =	vst v63  }
0x378: {  	_ =	swait.ge [sflag:s11], $0x7C00  }
0x379: {  	[sflag:s11] =	ssyncset.done $0x0  }
0x37a: {  	[sflag:s11] =	ssyncadd.s32 $0xFFFF8400  }
0x37b: {  	[hbm4b:s31+s2] =	stream.linear.scatter [tilespmem:s2], [sflag:$0x5], $0x7C00, $0x38;
	[tilespmem:$0x1F000] =	vst v63  }
0x37c: {  	_ =	swait.ge [sflag:s12], $0x7C00  }
0x37d: {  	[sflag:s12] =	ssyncset.done $0x0  }
0x37e: {  	[sflag:s12] =	ssyncadd.s32 $0xFFFF8400  }
0x37f: {  	[tilespmem:s15], [sflag:$0x4] =	stream.linear.gather [hbm4b:s30+s2], $0x7C00, $0x38;
	[tilespmem:$0x1F000] =	vst v63  }
0x380: {  	_ =	swait.ge [sflag:s9], $0x7C00  }
0x381: {  	[sflag:s9] =	ssyncset.done $0x0  }
0x382: {  	[sflag:s9] =	ssyncadd.s32 $0xFFFF8400  }
0x383: {  	[hbm4b:s29+s2] =	stream.linear.scatter [tilespmem:s6], [sflag:$0x6], $0x7C00, $0x38;
	[tilespmem:$0x1F000] =	vst v63  }
0x384: {  	_ =	swait.ge [sflag:s5], $0x7C00  }
0x385: {  	[sflag:s5] =	ssyncset.done $0x0  }
0x386: {  	[sflag:s5] =	ssyncadd.s32 $0xFFFF8400  }
0x387: {  	[tilespmem:s2], [sflag:$0x1] =	stream.linear.gather [hbm4b:s28+s2], $0x7C00, $0x38;
	[tilespmem:$0x1F000] =	vst v63  }
0x388: {  	_ =	swait.ge [sflag:s24], $0x7C00  }
0x389: {  	[sflag:s24] =	ssyncset.done $0x0  }
0x38a: {  	[sflag:s24] =	ssyncadd.s32 $0xFFFF8400  }
0x38b: {  	[hbm4b:s26+s2] =	stream.linear.scatter [tilespmem:s19], [sflag:$0x7], $0x7C00, $0x38;
	[tilespmem:$0x1F000] =	vst v63  }
0x38c: {  	_ =	swait.ge [sflag:s4], $0x7C00  }
0x38d: {  	[sflag:s4] =	ssyncset.done $0x0  }
0x38e: {  	[sflag:s4] =	ssyncadd.s32 $0xFFFF8400  }
0x38f: {  	[tilespmem:s6], [sflag:$0x2] =	stream.linear.gather [hbm4b:s25+s2], $0x7C00, $0x38;
	[tilespmem:$0x1F000] =	vst v63  }
0x390: {  	_ =	swait.ge [sflag:s21], $0x7C00  }
0x391: {  	[sflag:s21] =	ssyncset.done $0x0  }
0x392: {  	[sflag:s21] =	ssyncadd.s32 $0xFFFF8400  }
0x393: {  	[hbm4b:s23+s2] =	stream.linear.scatter [tilespmem:s15], [sflag:$0x8], $0x7C00, $0x38;
	[tilespmem:$0x1F000] =	vst v63  }
0x394: {  	_ =	swait.ge [sflag:s13], $0x7C00  }
0x395: {  	[sflag:s13] =	ssyncset.done $0x0  }
0x396: {  	[sflag:s13] =	ssyncadd.s32 $0xFFFF8400  }
0x397: {  	[tilespmem:s19], [sflag:$0x3] =	stream.linear.gather [hbm4b:s22+s2], $0x7C00, $0x38;
	[tilespmem:$0x1F000] =	vst v63  }
0x398: {  	_ =	swait.ge [sflag:s11], $0x7C00  }
0x399: {  	[sflag:s11] =	ssyncset.done $0x0  }
0x39a: {  	[sflag:s11] =	ssyncadd.s32 $0xFFFF8400  }
0x39b: {  	[hbm4b:s20+s2] =	stream.linear.scatter [tilespmem:s2], [sflag:$0x5], $0x7C00, $0x38;
	[tilespmem:$0x1F000] =	vst v63  }
0x39c: {  	_ =	swait.ge [sflag:s12], $0x7C00  }
0x39d: {  	[sflag:s12] =	ssyncset.done $0x0  }
0x39e: {  	[sflag:s12] =	ssyncadd.s32 $0xFFFF8400  }
0x39f: {  	[tilespmem:s15], [sflag:$0x4] =	stream.linear.gather [hbm4b:s18+s2], $0x7C00, $0x38;
	[tilespmem:$0x1F000] =	vst v63  }
0x3a0: {  	_ =	swait.ge [sflag:s9], $0x7C00  }
0x3a1: {  	[sflag:s9] =	ssyncset.done $0x0  }
0x3a2: {  	[sflag:s9] =	ssyncadd.s32 $0xFFFF8400  }
0x3a3: {  	[hbm4b:s17+s2] =	stream.linear.scatter [tilespmem:s6], [sflag:$0x6], $0x7C00, $0x38;
	[tilespmem:$0x1F000] =	vst v63  }
0x3a4: {  	_ =	swait.ge [sflag:s5], $0x7C00  }
0x3a5: {  	[sflag:s5] =	ssyncset.done $0x0  }
0x3a6: {  	[sflag:s5] =	ssyncadd.s32 $0xFFFF8400  }
0x3a7: {  	[tilespmem:s2], [sflag:$0x1] =	stream.linear.gather [hbm4b:s16+s2], $0x7C00, $0x38;
	[tilespmem:$0x1F000] =	vst v63  }
0x3a8: {  	_ =	swait.ge [sflag:s24], $0x7C00  }
0x3a9: {  	[sflag:s24] =	ssyncset.done $0x0  }
0x3aa: {  	[sflag:s24] =	ssyncadd.s32 $0xFFFF8400  }
0x3ab: {  	[hbm4b:s14+s2] =	stream.linear.scatter [tilespmem:s19], [sflag:$0x7], $0x7C00, $0x38;
	[tilespmem:$0x1F000] =	vst v63  }
0x3ac: {  	_ =	swait.ge [sflag:s4], $0x7C00  }
0x3ad: {  	[sflag:s4] =	ssyncset.done $0x0  }
0x3ae: {  	[sflag:s4] =	ssyncadd.s32 $0xFFFF8400  }
0x3af: {  	[tilespmem:s6], [sflag:$0x2] =	stream.linear.gather [hbm4b:s10+s2], $0x400, $0x38;
	[tilespmem:$0x1F000] =	vst v63  }
0x3b0: {  	_ =	swait.ge [sflag:s21], $0x7C00  }
0x3b1: {  	[sflag:s21] =	ssyncset.done $0x0  }
0x3b2: {  	[sflag:s21] =	ssyncadd.s32 $0xFFFF8400  }
0x3b3: {  	[hbm4b:s8+s2] =	stream.linear.scatter [tilespmem:s15], [sflag:$0x8], $0x7C00, $0x38;
	[tilespmem:$0x1F000] =	vst v63  }
0x3b4: {  	_ =	swait.ge [sflag:s11], $0x7C00  }
0x3b5: {  	[sflag:s11] =	ssyncset.done $0x0  }
0x3b6: {  	[sflag:s11] =	ssyncadd.s32 $0xFFFF8400  }
0x3b7: {  	[hbm4b:s7+s2] =	stream.linear.scatter [tilespmem:s2], [sflag:$0x5], $0x7C00, $0x38;
	[tilespmem:$0x1F000] =	vst v63  }
0x3b8: {  	_ =	swait.ge [sflag:s9], $0x400  }
0x3b9: {  	[sflag:s9] =	ssyncset.done $0x0  }
0x3ba: {  	[sflag:s9] =	ssyncadd.s32 $0xFFFFFC00  }
0x3bb: {  	[hbm4b:s3+s2] =	stream.linear.scatter [tilespmem:s6], [sflag:$0x6], $0x400, $0x38;
	[tilespmem:$0x1F000] =	vst v63  }
0x3bc: {  	_ =	swait.ge [sflag:s13], $0x7C00  }
0x3bd: {  	[sflag:s13] =	ssyncset.done $0x0  }
0x3be: {  	[sflag:s13] =	ssyncadd.s32 $0xFFFF8400  }
0x3bf: {  	_ =	swait.ge [sflag:s12], $0x7C00  }
0x3c0: {  	[sflag:s12] =	ssyncset.done $0x0  }
0x3c1: {  	[sflag:s12] =	ssyncadd.s32 $0xFFFF8400  }
0x3c2: {  	_ =	swait.ge [sflag:s5], $0x7C00  }
0x3c3: {  	[sflag:s5] =	ssyncset.done $0x0  }
0x3c4: {  	[sflag:s5] =	ssyncadd.s32 $0xFFFF8400  }
0x3c5: {  	_ =	swait.ge [sflag:s4], $0x400  }
0x3c6: {  	[sflag:s4] =	ssyncset.done $0x0  }
0x3c7: {  	[sflag:s4] =	ssyncadd.s32 $0xFFFFFC00  }
0x3c8: {  	_ =	sfence.sel $0x180000  }
0x3c9: {  	[bflag:$0x0] =	sbarrier.arrive $0xFFFF  }
0x3ca: {  	_ =	strace $0x90000047  }
0x3cb: {  	s31 =	stileid.u32;
	[bflag:$0x2] =	sbarrier.arrive $0xFFFF  }
0x3cc: {  	p0 =	sne.s32 s31, $0x0;
	s0 =	rddreg [dreg:$0x2]  }
0x3cd: {  	s0 =	sadd.s32 @!p0 $0x100000, s0  }
0x3ce: {  	[sflag:s0] =	ssyncadd.tile.s32 @!p0 $0x1;
	_ =	shalt  }
.Lfunc_end2:
_tile_overlayer_lowered:
.L_overlay_start_2:
0x3cf: {  	(tag) =	ssettag $0x2  }
0x3d0: {  	s0 =	rddreg [dreg:$0x0];
	s2 =	stileid.u32  }
0x3d1: {  	s1 =	rddreg [dreg:$0x1];
	p0 =	sne.s32 s2, $0x0  }
0x3d2: {  	s3 =	rddreg [dreg:$0x2];
	[bflag:$0x3] =	sbarrier.arrive $0xFFFF;
	s2 =	simm.s32 @!p0 $0x1C09  }
0x3d3: {  	[timem:s3], [sflag:s2] =	dma.local @!p0 [hbm:s0], s1  }
0x3d4: {  	s0 =	simm.s32 @!p0 $0x9  }
0x3d5: {  	_ =	swait.ge @!p0 [sflag:s0], s1  }
0x3d6: {  	s1 =	ssub.s32 @!p0 $0x0, s1;
	[sflag:s0] =	ssyncset.done @!p0 $0x0  }
0x3d7: {  	[sflag:s0] =	ssyncadd.s32 @!p0 s1  }
0x3d8: {  	[bflag:$0x3] =	sbarrier.arrive $0xFFFF  }
0x3d9: {  	_ =	shalt  }

</sc_bundles>
